<compile_context>
chip_gen: v7x
topology: tpu7x:2x2x1
jax: 0.10.2.dev20260603
libtpu: 0.0.44.dev20260713+nightly
codegen_flags: <defaults>
</compile_context>

<pallas_src>
import jax
import jax.numpy as jnp
from jax import lax
from jax.experimental import pallas as pl
from jax.experimental.pallas import tpu as pltpu
from jax.experimental.pallas import tpu_sc as plsc

_NC = 2
_NS = 16
_CHUNK = 96


def _make_sc_agg(n_pad, e_pad, d):
  nw = _NC * _NS
  per_w = e_pad // nw
  n_chunks = per_w // _CHUNK
  assert n_chunks % 2 == 1
  rows_per_tile = n_pad // _NS
  mesh = plsc.VectorSubcoreMesh(core_axis_name="c", subcore_axis_name="s")

  def body(x_hbm, src_hbm, dst_hbm, z_hbm, acc_out,
           src_v, dst_v, rows_a, rows_b, acc_sh, sem_a, sem_b):
    cid = lax.axis_index("c")
    sid = lax.axis_index("s")
    wid = cid * _NS + sid
    r0 = sid * rows_per_tile
    base = wid * per_w

    pltpu.sync_copy(z_hbm.at[pl.ds(r0, rows_per_tile)],
                    acc_sh.at[pl.ds(r0, rows_per_tile)])
    pltpu.sync_copy(src_hbm.at[pl.ds(base, per_w)], src_v)
    pltpu.sync_copy(dst_hbm.at[pl.ds(base, per_w)], dst_v)
    plsc.subcore_barrier()

    def gather(c, rows, sem):
      pltpu.async_copy(x_hbm.at[src_v.at[pl.ds(c * _CHUNK, _CHUNK)]], rows, sem)

    def drain(rows, sem):
      pltpu.make_async_copy(x_hbm.at[pl.ds(0, _CHUNK)], rows, sem).wait()

    def scatter(c, rows):
      pltpu.sync_copy(rows, acc_sh.at[dst_v.at[pl.ds(c * _CHUNK, _CHUNK)]],
                      add=True)

    gather(0, rows_a, sem_a)

    def pair(i, carry):
      c = 2 * i
      gather(c + 1, rows_b, sem_b)
      drain(rows_a, sem_a)
      scatter(c, rows_a)
      gather(c + 2, rows_a, sem_a)
      drain(rows_b, sem_b)
      scatter(c + 1, rows_b)
      return carry

    lax.fori_loop(0, (n_chunks - 1) // 2, pair, 0)
    drain(rows_a, sem_a)
    scatter(n_chunks - 1, rows_a)
    plsc.subcore_barrier()

    pltpu.sync_copy(acc_sh.at[pl.ds(r0, rows_per_tile)],
                    acc_out.at[cid, pl.ds(r0, rows_per_tile)])

  out_type = jax.ShapeDtypeStruct((_NC, n_pad, d), jnp.float32)
  scratch = [
      pltpu.VMEM((per_w,), jnp.int32),
      pltpu.VMEM((per_w,), jnp.int32),
      pltpu.VMEM((_CHUNK, d), jnp.float32),
      pltpu.VMEM((_CHUNK, d), jnp.float32),
      pltpu.VMEM_SHARED((n_pad, d), jnp.float32),
      pltpu.SemaphoreType.DMA,
      pltpu.SemaphoreType.DMA,
  ]
  return pl.kernel(body, out_type=out_type, mesh=mesh, scratch_types=scratch)


def _make_sc_counts(n_pad, e_pad):
  nw = _NC * _NS
  per_w = e_pad // nw
  n_chunks = per_w // _CHUNK
  rows_per_tile = n_pad // _NS
  mesh = plsc.VectorSubcoreMesh(core_axis_name="c", subcore_axis_name="s")

  def body(dst_hbm, z_hbm, ones_hbm, cnt_out, dst_v, ones_v, acc_sh):
    cid = lax.axis_index("c")
    sid = lax.axis_index("s")
    wid = cid * _NS + sid
    r0 = sid * rows_per_tile
    base = wid * per_w

    pltpu.sync_copy(z_hbm.at[pl.ds(r0, rows_per_tile)],
                    acc_sh.at[pl.ds(r0, rows_per_tile)])
    pltpu.sync_copy(dst_hbm.at[pl.ds(base, per_w)], dst_v)
    pltpu.sync_copy(ones_hbm, ones_v)
    plsc.subcore_barrier()

    def step(c, carry):
      pltpu.sync_copy(ones_v, acc_sh.at[dst_v.at[pl.ds(c * _CHUNK, _CHUNK)]],
                      add=True)
      return carry

    lax.fori_loop(0, n_chunks, step, 0)
    plsc.subcore_barrier()

    pltpu.sync_copy(acc_sh.at[pl.ds(r0, rows_per_tile)],
                    cnt_out.at[cid, pl.ds(r0, rows_per_tile)])

  out_type = jax.ShapeDtypeStruct((_NC, n_pad, 128), jnp.float32)
  scratch = [
      pltpu.VMEM((per_w,), jnp.int32),
      pltpu.VMEM((_CHUNK, 128), jnp.float32),
      pltpu.VMEM_SHARED((n_pad, 128), jnp.float32),
  ]
  return pl.kernel(body, out_type=out_type, mesh=mesh, scratch_types=scratch)


def _dot_t(a, b):
  return lax.dot_general(a, b, (((1,), (1,)), ((), ())),
                         preferred_element_type=jnp.float32)


def _tc_layer1(accp_ref, cnt_ref, x_ref, w1l_ref, b1_ref, w1r_ref,
               w2l_ref, w2r_ref, b2_ref, p_ref, q_ref, invb_ref):
  s = accp_ref[0] + accp_ref[1]
  cnt = cnt_ref[0] + cnt_ref[1]
  inv = 1.0 / jnp.maximum(cnt, 1.0)
  sm = s * inv
  h = _dot_t(sm, w1l_ref[...]) + b1_ref[...] + _dot_t(x_ref[...], w1r_ref[...])
  h = jnp.maximum(h, 0.0)
  p_ref[...] = _dot_t(h, w2l_ref[...])
  q_ref[...] = _dot_t(h, w2r_ref[...]) + b2_ref[...]
  invb_ref[...] = jnp.broadcast_to(inv, invb_ref.shape)


def _tc_final(accp_ref, invb_ref, q_ref, out_ref):
  out_ref[...] = (accp_ref[0] + accp_ref[1]) * invb_ref[...] + q_ref[...]


def kernel(x, edge_index, W1_l, b1, W1_r, W2_l, b2, W2_r):
  n, d_in = x.shape
  d_hid = W1_l.shape[0]
  d_out = W2_l.shape[0]
  e = edge_index.shape[1]

  nw = _NC * _NS
  n_pad = -(-(n + 1) // (_NS * 8)) * (_NS * 8)
  cpw = -(-(-(-e // _CHUNK)) // nw)
  cpw += 1 - (cpw % 2)
  per_w = cpw * _CHUNK
  e_pad = per_w * nw

  src = edge_index[0].astype(jnp.int32)
  dst = edge_index[1].astype(jnp.int32)
  pad_i = jnp.arange(e_pad - e, dtype=jnp.int32)
  src = jnp.concatenate([src, pad_i % n])
  dst = jnp.concatenate([dst, n + pad_i % (n_pad - n)])

  zeros128 = jnp.zeros((n_pad, 128), jnp.float32)
  acc1 = _make_sc_agg(n_pad, e_pad, d_in)(x, src, dst, zeros128)
  cnt = _make_sc_counts(n_pad, e_pad)(
      dst, zeros128, jnp.ones((_CHUNK, 128), jnp.float32))

  blk = 1000
  grid = (n // blk,)
  full = lambda shape: pl.BlockSpec(shape, lambda i: (0,) * len(shape))
  p, q, invb = pl.pallas_call(
      _tc_layer1,
      grid=grid,
      in_specs=[
          pl.BlockSpec((_NC, blk, d_in), lambda i: (0, i, 0)),
          pl.BlockSpec((_NC, blk, 128), lambda i: (0, i, 0)),
          pl.BlockSpec((blk, d_in), lambda i: (i, 0)),
          full((d_hid, d_in)),
          full((1, d_hid)),
          full((d_hid, d_in)),
          full((d_out, d_hid)),
          full((d_out, d_hid)),
          full((1, d_out)),
      ],
      out_specs=[
          pl.BlockSpec((blk, d_out), lambda i: (i, 0)),
          pl.BlockSpec((blk, d_out), lambda i: (i, 0)),
          pl.BlockSpec((blk, d_out), lambda i: (i, 0)),
      ],
      out_shape=[
          jax.ShapeDtypeStruct((n, d_out), jnp.float32),
          jax.ShapeDtypeStruct((n, d_out), jnp.float32),
          jax.ShapeDtypeStruct((n, d_out), jnp.float32),
      ],
  )(acc1, cnt, x, W1_l, b1.reshape(1, -1), W1_r, W2_l, W2_r, b2.reshape(1, -1))

  acc2 = _make_sc_agg(n_pad, e_pad, d_out)(p, src, dst, zeros128)

  out = pl.pallas_call(
      _tc_final,
      grid=grid,
      in_specs=[
          pl.BlockSpec((_NC, blk, d_out), lambda i: (0, i, 0)),
          pl.BlockSpec((blk, d_out), lambda i: (i, 0)),
          pl.BlockSpec((blk, d_out), lambda i: (i, 0)),
      ],
      out_specs=pl.BlockSpec((blk, d_out), lambda i: (i, 0)),
      out_shape=jax.ShapeDtypeStruct((n, d_out), jnp.float32),
  )(acc2, invb, q)
  return out

# --- scband reference (transcript-rebuilt; emitter-appended) ---
"""Pipeline reference for scband-graph-sage-13726715478299 (READ-ONLY COPY).

The authoritative reference and input builder live on the scoring server;
editing this copy changes nothing except your own understanding.
"""

import jax, jax.numpy as jnp
import numpy as np

N_NODES = 10000
N_EDGES = 320000
D_IN = 128
D_HID = 256
D_OUT = 128


def sage_conv(x, edge_index, W_l, b_l, W_r):
    # PyG SAGEConv (mean aggregation): out = lin_l(mean_j x_j) + lin_r(x)
    src = edge_index[0]
    dst = edge_index[1]
    n = x.shape[0]
    msgs = jnp.take(x, src, axis=0)
    agg = jax.ops.segment_sum(msgs, dst, num_segments=n)
    cnt = jax.ops.segment_sum(jnp.ones((src.shape[0],), dtype=x.dtype), dst, num_segments=n)
    mean = agg / jnp.maximum(cnt, 1.0)[:, None]
    return mean @ W_l.T + b_l + x @ W_r.T


def setup_inputs(seed: int = 0) -> dict:
    key = jax.random.key(seed)
    ks = jax.random.split(key, 8)
    x = jax.random.normal(ks[0], (N_NODES, D_IN), dtype=jnp.float32)
    edge_index = jax.random.randint(ks[1], (2, N_EDGES), 0, N_NODES, dtype=jnp.int64)
    s1 = 1.0 / np.sqrt(D_IN)
    s2 = 1.0 / np.sqrt(D_HID)
    W1_l = jax.random.uniform(ks[2], (D_HID, D_IN), dtype=jnp.float32, minval=-s1, maxval=s1)
    b1 = jnp.zeros((D_HID,), dtype=jnp.float32)
    W1_r = jax.random.uniform(ks[3], (D_HID, D_IN), dtype=jnp.float32, minval=-s1, maxval=s1)
    W2_l = jax.random.uniform(ks[4], (D_OUT, D_HID), dtype=jnp.float32, minval=-s2, maxval=s2)
    b2 = jnp.zeros((D_OUT,), dtype=jnp.float32)
    W2_r = jax.random.uniform(ks[5], (D_OUT, D_HID), dtype=jnp.float32, minval=-s2, maxval=s2)
    return {"x": x, "edge_index": edge_index, "W1_l": W1_l, "b1": b1, "W1_r": W1_r, "W2_l": W2_l, "b2": b2, "W2_r": W2_r}


def reference(x, edge_index, W1_l, b1, W1_r, W2_l, b2, W2_r):
    # Dropout is identity in eval/inference mode.
    h = jax.nn.relu(sage_conv(x, edge_index, W1_l, b1, W1_r))
    out = sage_conv(h, edge_index, W2_l, b2, W2_r)
    return out

if __name__ == "__main__":
    import jax
    _d = setup_inputs()
    print(jax.jit(kernel)(*tuple(_d.values())))

</pallas_src>

<mosaic_0001>
#map = affine_map<(d0, d1) -> (0, 0)>
#map1 = affine_map<(d0, d1) -> (0)>
#map2 = affine_map<(d0, d1) -> (0, 0, 0)>
module attributes {stable_mosaic.version = 14 : i64} {
  func.func @body(%arg0: i32, %arg1: i32, %arg2: memref<10000x128xf32, #tpu.memory_space<hbm>>, %arg3: memref<322560xi32, #tpu.memory_space<hbm>>, %arg4: memref<322560xi32, #tpu.memory_space<hbm>>, %arg5: memref<10112x128xf32, #tpu.memory_space<hbm>>, %arg6: memref<2x10112x128xf32, #tpu.memory_space<hbm>>, %arg7: memref<10080xi32, #tpu.memory_space<vmem>>, %arg8: memref<10080xi32, #tpu.memory_space<vmem>>, %arg9: memref<96x128xf32, #tpu.memory_space<vmem>>, %arg10: memref<96x128xf32, #tpu.memory_space<vmem>>, %arg11: memref<10112x128xf32, #tpu.memory_space<vmem_shared>>, %arg12: memref<!tpu.dma_semaphore, #tpu.memory_space<semaphore_mem>>, %arg13: memref<!tpu.dma_semaphore, #tpu.memory_space<semaphore_mem>>) attributes {dimension_semantics = [#tpu.dimension_semantics<core_parallel>, #tpu.dimension_semantics<subcore_parallel>], iteration_bounds = array<i64: 2, 16>, scalar_prefetch = 0 : i64, scratch_operands = 7 : i64, tpu.core_type = #tpu.core_type<sc_vector_subcore>, window_params = [{transform_indices = #map}, {transform_indices = #map1}, {transform_indices = #map1}, {transform_indices = #map}, {transform_indices = #map2}]} {
    %mul3A = arith.constant 16 : i32
    %mul3A_0 = arith.muli %arg0, %mul3A : i32
    %add3A = arith.addi %mul3A_0, %arg1 : i32
    %mul3A_1 = arith.constant 632 : i32
    %mul3A_2 = arith.muli %arg1, %mul3A_1 : i32
    %mul3A_3 = arith.constant 10080 : i32
    %mul3A_4 = arith.muli %add3A, %mul3A_3 : i32
    "tpu.region"() ({
      %run_scoped3A = tpu.sem_alloc : memref<!tpu.dma_semaphore, #tpu.memory_space<semaphore_mem>>
      %dma_start3A_20 = arith.constant 0 : i32
      %dma_start3A_21 = tpu.memref_slice %arg11[%mul3A_2, %dma_start3A_20] : memref<10112x128xf32, #tpu.memory_space<vmem_shared>> -> memref<632x128xf32, #tpu.memory_space<vmem_shared>>
      %dma_start3A_22 = arith.constant 0 : i32
      %dma_start3A_23 = tpu.memref_slice %arg5[%mul3A_2, %dma_start3A_22] : memref<10112x128xf32, #tpu.memory_space<hbm>> -> memref<632x128xf32, #tpu.memory_space<hbm>>
      tpu.enqueue_dma source(%dma_start3A_23 : memref<632x128xf32, #tpu.memory_space<hbm>>) target(%dma_start3A_21 : memref<632x128xf32, #tpu.memory_space<vmem_shared>>) target_semaphore(%run_scoped3A : memref<!tpu.dma_semaphore, #tpu.memory_space<semaphore_mem>>)
      %dma_wait3A_24 = arith.constant 0 : i32
      %dma_wait3A_25 = tpu.memref_slice %arg11[%mul3A_2, %dma_wait3A_24] : memref<10112x128xf32, #tpu.memory_space<vmem_shared>> -> memref<632x128xf32, #tpu.memory_space<vmem_shared>>
      %dma_wait3A_26 = arith.constant 0 : i32
      %dma_wait3A_27 = tpu.memref_slice %arg5[%mul3A_2, %dma_wait3A_26] : memref<10112x128xf32, #tpu.memory_space<hbm>> -> memref<632x128xf32, #tpu.memory_space<hbm>>
      tpu.wait_dma2 semaphore(%run_scoped3A : memref<!tpu.dma_semaphore, #tpu.memory_space<semaphore_mem>>) src(%dma_wait3A_27 : memref<632x128xf32, #tpu.memory_space<hbm>>) dst(%dma_wait3A_25 : memref<632x128xf32, #tpu.memory_space<vmem_shared>>)
      tpu.yield
    }) : () -> ()
    "tpu.region"() ({
      %run_scoped3A = tpu.sem_alloc : memref<!tpu.dma_semaphore, #tpu.memory_space<semaphore_mem>>
      %dma_start3A_20 = tpu.memref_slice %arg3[%mul3A_4] : memref<322560xi32, #tpu.memory_space<hbm>> -> memref<10080xi32, #tpu.memory_space<hbm>>
      %dma_start3A_21 = tpu.memref_slice %arg3[%mul3A_4] : memref<322560xi32, #tpu.memory_space<hbm>> -> memref<10080xi32, #tpu.memory_space<hbm>>
      tpu.enqueue_dma source(%dma_start3A_21 : memref<10080xi32, #tpu.memory_space<hbm>>) target(%arg7 : memref<10080xi32, #tpu.memory_space<vmem>>) target_semaphore(%run_scoped3A : memref<!tpu.dma_semaphore, #tpu.memory_space<semaphore_mem>>)
      %dma_wait3A_22 = tpu.memref_slice %arg3[%mul3A_4] : memref<322560xi32, #tpu.memory_space<hbm>> -> memref<10080xi32, #tpu.memory_space<hbm>>
      %dma_wait3A_23 = tpu.memref_slice %arg3[%mul3A_4] : memref<322560xi32, #tpu.memory_space<hbm>> -> memref<10080xi32, #tpu.memory_space<hbm>>
      tpu.wait_dma2 semaphore(%run_scoped3A : memref<!tpu.dma_semaphore, #tpu.memory_space<semaphore_mem>>) src(%dma_wait3A_23 : memref<10080xi32, #tpu.memory_space<hbm>>) dst(%arg7 : memref<10080xi32, #tpu.memory_space<vmem>>)
      tpu.yield
    }) : () -> ()
    "tpu.region"() ({
      %run_scoped3A = tpu.sem_alloc : memref<!tpu.dma_semaphore, #tpu.memory_space<semaphore_mem>>
      %dma_start3A_20 = tpu.memref_slice %arg4[%mul3A_4] : memref<322560xi32, #tpu.memory_space<hbm>> -> memref<10080xi32, #tpu.memory_space<hbm>>
      %dma_start3A_21 = tpu.memref_slice %arg4[%mul3A_4] : memref<322560xi32, #tpu.memory_space<hbm>> -> memref<10080xi32, #tpu.memory_space<hbm>>
      tpu.enqueue_dma source(%dma_start3A_21 : memref<10080xi32, #tpu.memory_space<hbm>>) target(%arg8 : memref<10080xi32, #tpu.memory_space<vmem>>) target_semaphore(%run_scoped3A : memref<!tpu.dma_semaphore, #tpu.memory_space<semaphore_mem>>)
      %dma_wait3A_22 = tpu.memref_slice %arg4[%mul3A_4] : memref<322560xi32, #tpu.memory_space<hbm>> -> memref<10080xi32, #tpu.memory_space<hbm>>
      %dma_wait3A_23 = tpu.memref_slice %arg4[%mul3A_4] : memref<322560xi32, #tpu.memory_space<hbm>> -> memref<10080xi32, #tpu.memory_space<hbm>>
      tpu.wait_dma2 semaphore(%run_scoped3A : memref<!tpu.dma_semaphore, #tpu.memory_space<semaphore_mem>>) src(%dma_wait3A_23 : memref<10080xi32, #tpu.memory_space<hbm>>) dst(%arg8 : memref<10080xi32, #tpu.memory_space<vmem>>)
      tpu.yield
    }) : () -> ()
    %barrier3A = arith.constant 0 : index
    tpu.barrier barrier_id(%barrier3A)
    %dma_start3A = arith.constant 0 : i32
    %dma_start3A_5 = tpu.memref_slice %arg7[%dma_start3A] : memref<10080xi32, #tpu.memory_space<vmem>> -> memref<96xi32, #tpu.memory_space<vmem>>
    %dma_start3A_6 = arith.constant 0 : i32
    %dma_start3A_7 = arith.constant 0 : i32
    %dma_start3A_8 = tpu.memref_slice %arg2[%dma_start3A_6, %dma_start3A_7] : memref<10000x128xf32, #tpu.memory_space<hbm>> -> memref<10000x128xf32, #tpu.memory_space<hbm>>
    tpu.enqueue_indirect_dma source(%dma_start3A_8 : memref<10000x128xf32, #tpu.memory_space<hbm>>) target(%arg9 : memref<96x128xf32, #tpu.memory_space<vmem>>) offsets(%dma_start3A_5 : memref<96xi32, #tpu.memory_space<vmem>>) semaphore(%arg12 : memref<!tpu.dma_semaphore, #tpu.memory_space<semaphore_mem>>)
    %scan3A = arith.constant 0 : i32
    %scan3A_9 = arith.constant 0 : i32
    %scan3A_10 = arith.constant 52 : i32
    %scan3A_11 = arith.addi %scan3A_9, %scan3A_10 : i32
    %scan3A_12 = arith.constant 1 : i32
    scf.for %scan3A_20 = %scan3A_9 to %scan3A_11 step %scan3A_12  : i32 {
      %mul3A_21 = arith.constant 2 : i32
      %mul3A_22 = arith.muli %mul3A_21, %scan3A_20 : i32
      %add3A_23 = arith.constant 1 : i32
      %add3A_24 = arith.addi %mul3A_22, %add3A_23 : i32
      %mul3A_25 = arith.constant 96 : i32
      %mul3A_26 = arith.muli %add3A_24, %mul3A_25 : i32
      %dma_start3A_27 = tpu.memref_slice %arg7[%mul3A_26] : memref<10080xi32, #tpu.memory_space<vmem>> -> memref<96xi32, #tpu.memory_space<vmem>>
      %dma_start3A_28 = arith.constant 0 : i32
      %dma_start3A_29 = arith.constant 0 : i32
      %dma_start3A_30 = tpu.memref_slice %arg2[%dma_start3A_28, %dma_start3A_29] : memref<10000x128xf32, #tpu.memory_space<hbm>> -> memref<10000x128xf32, #tpu.memory_space<hbm>>
      tpu.enqueue_indirect_dma source(%dma_start3A_30 : memref<10000x128xf32, #tpu.memory_space<hbm>>) target(%arg10 : memref<96x128xf32, #tpu.memory_space<vmem>>) offsets(%dma_start3A_27 : memref<96xi32, #tpu.memory_space<vmem>>) semaphore(%arg13 : memref<!tpu.dma_semaphore, #tpu.memory_space<semaphore_mem>>)
      %dma_wait3A_31 = arith.constant 0 : i32
      %dma_wait3A_32 = arith.constant 0 : i32
      %dma_wait3A_33 = tpu.memref_slice %arg2[%dma_wait3A_31, %dma_wait3A_32] : memref<10000x128xf32, #tpu.memory_space<hbm>> -> memref<96x128xf32, #tpu.memory_space<hbm>>
      %dma_wait3A_34 = arith.constant 0 : i32
      %dma_wait3A_35 = arith.constant 0 : i32
      %dma_wait3A_36 = tpu.memref_slice %arg2[%dma_wait3A_34, %dma_wait3A_35] : memref<10000x128xf32, #tpu.memory_space<hbm>> -> memref<96x128xf32, #tpu.memory_space<hbm>>
      tpu.wait_dma2 semaphore(%arg12 : memref<!tpu.dma_semaphore, #tpu.memory_space<semaphore_mem>>) src(%dma_wait3A_36 : memref<96x128xf32, #tpu.memory_space<hbm>>) dst(%arg9 : memref<96x128xf32, #tpu.memory_space<vmem>>)
      %mul3A_37 = arith.constant 96 : i32
      %mul3A_38 = arith.muli %mul3A_22, %mul3A_37 : i32
      "tpu.region"() ({
        %run_scoped3A = tpu.sem_alloc : memref<!tpu.dma_semaphore, #tpu.memory_space<semaphore_mem>>
        %dma_start3A_57 = tpu.memref_slice %arg8[%mul3A_38] : memref<10080xi32, #tpu.memory_space<vmem>> -> memref<96xi32, #tpu.memory_space<vmem>>
        %dma_start3A_58 = arith.constant 0 : i32
        %dma_start3A_59 = arith.constant 0 : i32
        %dma_start3A_60 = tpu.memref_slice %arg11[%dma_start3A_58, %dma_start3A_59] : memref<10112x128xf32, #tpu.memory_space<vmem_shared>> -> memref<10112x128xf32, #tpu.memory_space<vmem_shared>>
        tpu.enqueue_indirect_dma source(%arg9 : memref<96x128xf32, #tpu.memory_space<vmem>>) target(%dma_start3A_60 : memref<10112x128xf32, #tpu.memory_space<vmem_shared>>) offsets(%dma_start3A_57 : memref<96xi32, #tpu.memory_space<vmem>>) semaphore(%run_scoped3A : memref<!tpu.dma_semaphore, #tpu.memory_space<semaphore_mem>>) {add = true}
        %dma_wait3A_61 = tpu.memref_slice %arg8[%mul3A_38] : memref<10080xi32, #tpu.memory_space<vmem>> -> memref<96xi32, #tpu.memory_space<vmem>>
        %dma_wait3A_62 = arith.constant 0 : i32
        %dma_wait3A_63 = arith.constant 0 : i32
        %dma_wait3A_64 = tpu.memref_slice %arg11[%dma_wait3A_62, %dma_wait3A_63] : memref<10112x128xf32, #tpu.memory_space<vmem_shared>> -> memref<10112x128xf32, #tpu.memory_space<vmem_shared>>
        tpu.wait_indirect_dma semaphore(%run_scoped3A : memref<!tpu.dma_semaphore, #tpu.memory_space<semaphore_mem>>) src(%arg9 : memref<96x128xf32, #tpu.memory_space<vmem>>) dst(%dma_wait3A_64 : memref<10112x128xf32, #tpu.memory_space<vmem_shared>>)
        tpu.yield
      }) : () -> ()
      %add3A_39 = arith.constant 2 : i32
      %add3A_40 = arith.addi %mul3A_22, %add3A_39 : i32
      %mul3A_41 = arith.constant 96 : i32
      %mul3A_42 = arith.muli %add3A_40, %mul3A_41 : i32
      %dma_start3A_43 = tpu.memref_slice %arg7[%mul3A_42] : memref<10080xi32, #tpu.memory_space<vmem>> -> memref<96xi32, #tpu.memory_space<vmem>>
      %dma_start3A_44 = arith.constant 0 : i32
      %dma_start3A_45 = arith.constant 0 : i32
      %dma_start3A_46 = tpu.memref_slice %arg2[%dma_start3A_44, %dma_start3A_45] : memref<10000x128xf32, #tpu.memory_space<hbm>> -> memref<10000x128xf32, #tpu.memory_space<hbm>>
      tpu.enqueue_indirect_dma source(%dma_start3A_46 : memref<10000x128xf32, #tpu.memory_space<hbm>>) target(%arg9 : memref<96x128xf32, #tpu.memory_space<vmem>>) offsets(%dma_start3A_43 : memref<96xi32, #tpu.memory_space<vmem>>) semaphore(%arg12 : memref<!tpu.dma_semaphore, #tpu.memory_space<semaphore_mem>>)
      %dma_wait3A_47 = arith.constant 0 : i32
      %dma_wait3A_48 = arith.constant 0 : i32
      %dma_wait3A_49 = tpu.memref_slice %arg2[%dma_wait3A_47, %dma_wait3A_48] : memref<10000x128xf32, #tpu.memory_space<hbm>> -> memref<96x128xf32, #tpu.memory_space<hbm>>
      %dma_wait3A_50 = arith.constant 0 : i32
      %dma_wait3A_51 = arith.constant 0 : i32
      %dma_wait3A_52 = tpu.memref_slice %arg2[%dma_wait3A_50, %dma_wait3A_51] : memref<10000x128xf32, #tpu.memory_space<hbm>> -> memref<96x128xf32, #tpu.memory_space<hbm>>
      tpu.wait_dma2 semaphore(%arg13 : memref<!tpu.dma_semaphore, #tpu.memory_space<semaphore_mem>>) src(%dma_wait3A_52 : memref<96x128xf32, #tpu.memory_space<hbm>>) dst(%arg10 : memref<96x128xf32, #tpu.memory_space<vmem>>)
      %add3A_53 = arith.constant 1 : i32
      %add3A_54 = arith.addi %mul3A_22, %add3A_53 : i32
      %mul3A_55 = arith.constant 96 : i32
      %mul3A_56 = arith.muli %add3A_54, %mul3A_55 : i32
      "tpu.region"() ({
        %run_scoped3A = tpu.sem_alloc : memref<!tpu.dma_semaphore, #tpu.memory_space<semaphore_mem>>
        %dma_start3A_57 = tpu.memref_slice %arg8[%mul3A_56] : memref<10080xi32, #tpu.memory_space<vmem>> -> memref<96xi32, #tpu.memory_space<vmem>>
        %dma_start3A_58 = arith.constant 0 : i32
        %dma_start3A_59 = arith.constant 0 : i32
        %dma_start3A_60 = tpu.memref_slice %arg11[%dma_start3A_58, %dma_start3A_59] : memref<10112x128xf32, #tpu.memory_space<vmem_shared>> -> memref<10112x128xf32, #tpu.memory_space<vmem_shared>>
        tpu.enqueue_indirect_dma source(%arg10 : memref<96x128xf32, #tpu.memory_space<vmem>>) target(%dma_start3A_60 : memref<10112x128xf32, #tpu.memory_space<vmem_shared>>) offsets(%dma_start3A_57 : memref<96xi32, #tpu.memory_space<vmem>>) semaphore(%run_scoped3A : memref<!tpu.dma_semaphore, #tpu.memory_space<semaphore_mem>>) {add = true}
        %dma_wait3A_61 = tpu.memref_slice %arg8[%mul3A_56] : memref<10080xi32, #tpu.memory_space<vmem>> -> memref<96xi32, #tpu.memory_space<vmem>>
        %dma_wait3A_62 = arith.constant 0 : i32
        %dma_wait3A_63 = arith.constant 0 : i32
        %dma_wait3A_64 = tpu.memref_slice %arg11[%dma_wait3A_62, %dma_wait3A_63] : memref<10112x128xf32, #tpu.memory_space<vmem_shared>> -> memref<10112x128xf32, #tpu.memory_space<vmem_shared>>
        tpu.wait_indirect_dma semaphore(%run_scoped3A : memref<!tpu.dma_semaphore, #tpu.memory_space<semaphore_mem>>) src(%arg10 : memref<96x128xf32, #tpu.memory_space<vmem>>) dst(%dma_wait3A_64 : memref<10112x128xf32, #tpu.memory_space<vmem_shared>>)
        tpu.yield
      }) : () -> ()
    }
    %scan3A_13 = arith.constant 52 : i32
    %dma_wait3A = arith.constant 0 : i32
    %dma_wait3A_14 = arith.constant 0 : i32
    %dma_wait3A_15 = tpu.memref_slice %arg2[%dma_wait3A, %dma_wait3A_14] : memref<10000x128xf32, #tpu.memory_space<hbm>> -> memref<96x128xf32, #tpu.memory_space<hbm>>
    %dma_wait3A_16 = arith.constant 0 : i32
    %dma_wait3A_17 = arith.constant 0 : i32
    %dma_wait3A_18 = tpu.memref_slice %arg2[%dma_wait3A_16, %dma_wait3A_17] : memref<10000x128xf32, #tpu.memory_space<hbm>> -> memref<96x128xf32, #tpu.memory_space<hbm>>
    tpu.wait_dma2 semaphore(%arg12 : memref<!tpu.dma_semaphore, #tpu.memory_space<semaphore_mem>>) src(%dma_wait3A_18 : memref<96x128xf32, #tpu.memory_space<hbm>>) dst(%arg9 : memref<96x128xf32, #tpu.memory_space<vmem>>)
    "tpu.region"() ({
      %run_scoped3A = tpu.sem_alloc : memref<!tpu.dma_semaphore, #tpu.memory_space<semaphore_mem>>
      %dma_start3A_20 = arith.constant 9984 : i32
      %dma_start3A_21 = tpu.memref_slice %arg8[%dma_start3A_20] : memref<10080xi32, #tpu.memory_space<vmem>> -> memref<96xi32, #tpu.memory_space<vmem>>
      %dma_start3A_22 = arith.constant 0 : i32
      %dma_start3A_23 = arith.constant 0 : i32
      %dma_start3A_24 = tpu.memref_slice %arg11[%dma_start3A_22, %dma_start3A_23] : memref<10112x128xf32, #tpu.memory_space<vmem_shared>> -> memref<10112x128xf32, #tpu.memory_space<vmem_shared>>
      tpu.enqueue_indirect_dma source(%arg9 : memref<96x128xf32, #tpu.memory_space<vmem>>) target(%dma_start3A_24 : memref<10112x128xf32, #tpu.memory_space<vmem_shared>>) offsets(%dma_start3A_21 : memref<96xi32, #tpu.memory_space<vmem>>) semaphore(%run_scoped3A : memref<!tpu.dma_semaphore, #tpu.memory_space<semaphore_mem>>) {add = true}
      %dma_wait3A_25 = arith.constant 9984 : i32
      %dma_wait3A_26 = tpu.memref_slice %arg8[%dma_wait3A_25] : memref<10080xi32, #tpu.memory_space<vmem>> -> memref<96xi32, #tpu.memory_space<vmem>>
      %dma_wait3A_27 = arith.constant 0 : i32
      %dma_wait3A_28 = arith.constant 0 : i32
      %dma_wait3A_29 = tpu.memref_slice %arg11[%dma_wait3A_27, %dma_wait3A_28] : memref<10112x128xf32, #tpu.memory_space<vmem_shared>> -> memref<10112x128xf32, #tpu.memory_space<vmem_shared>>
      tpu.wait_indirect_dma semaphore(%run_scoped3A : memref<!tpu.dma_semaphore, #tpu.memory_space<semaphore_mem>>) src(%arg9 : memref<96x128xf32, #tpu.memory_space<vmem>>) dst(%dma_wait3A_29 : memref<10112x128xf32, #tpu.memory_space<vmem_shared>>)
      tpu.yield
    }) : () -> ()
    %barrier3A_19 = arith.constant 0 : index
    tpu.barrier barrier_id(%barrier3A_19)
    "tpu.region"() ({
      %run_scoped3A = tpu.sem_alloc : memref<!tpu.dma_semaphore, #tpu.memory_space<semaphore_mem>>
      %dma_start3A_20 = arith.constant 0 : i32
      %dma_start3A_21 = tpu.memref_slice %arg6[%arg0, %mul3A_2, %dma_start3A_20] : memref<2x10112x128xf32, #tpu.memory_space<hbm>> -> memref<1x632x128xf32, #tpu.memory_space<hbm>>
      %dma_start3A_22 = tpu.memref_squeeze %dma_start3A_21 : memref<1x632x128xf32, #tpu.memory_space<hbm>> -> memref<632x128xf32, #tpu.memory_space<hbm>>
      %dma_start3A_23 = arith.constant 0 : i32
      %dma_start3A_24 = tpu.memref_slice %arg11[%mul3A_2, %dma_start3A_23] : memref<10112x128xf32, #tpu.memory_space<vmem_shared>> -> memref<632x128xf32, #tpu.memory_space<vmem_shared>>
      tpu.enqueue_dma source(%dma_start3A_24 : memref<632x128xf32, #tpu.memory_space<vmem_shared>>) target(%dma_start3A_22 : memref<632x128xf32, #tpu.memory_space<hbm>>) target_semaphore(%run_scoped3A : memref<!tpu.dma_semaphore, #tpu.memory_space<semaphore_mem>>)
      %dma_wait3A_25 = arith.constant 0 : i32
      %dma_wait3A_26 = tpu.memref_slice %arg6[%arg0, %mul3A_2, %dma_wait3A_25] : memref<2x10112x128xf32, #tpu.memory_space<hbm>> -> memref<1x632x128xf32, #tpu.memory_space<hbm>>
      %dma_wait3A_27 = tpu.memref_squeeze %dma_wait3A_26 : memref<1x632x128xf32, #tpu.memory_space<hbm>> -> memref<632x128xf32, #tpu.memory_space<hbm>>
      %dma_wait3A_28 = arith.constant 0 : i32
      %dma_wait3A_29 = tpu.memref_slice %arg11[%mul3A_2, %dma_wait3A_28] : memref<10112x128xf32, #tpu.memory_space<vmem_shared>> -> memref<632x128xf32, #tpu.memory_space<vmem_shared>>
      tpu.wait_dma2 semaphore(%run_scoped3A : memref<!tpu.dma_semaphore, #tpu.memory_space<semaphore_mem>>) src(%dma_wait3A_29 : memref<632x128xf32, #tpu.memory_space<vmem_shared>>) dst(%dma_wait3A_27 : memref<632x128xf32, #tpu.memory_space<hbm>>)
      tpu.yield
    }) : () -> ()
    return
  }
}

#map = affine_map<(d0, d1) -> (0)>
#map1 = affine_map<(d0, d1) -> (0, 0)>
#map2 = affine_map<(d0, d1) -> (0, 0, 0)>
module attributes {stable_mosaic.version = 14 : i64} {
  func.func @body(%arg0: i32, %arg1: i32, %arg2: memref<322560xi32, #tpu.memory_space<hbm>>, %arg3: memref<10112x128xf32, #tpu.memory_space<hbm>>, %arg4: memref<96x128xf32, #tpu.memory_space<hbm>>, %arg5: memref<2x10112x128xf32, #tpu.memory_space<hbm>>, %arg6: memref<10080xi32, #tpu.memory_space<vmem>>, %arg7: memref<96x128xf32, #tpu.memory_space<vmem>>, %arg8: memref<10112x128xf32, #tpu.memory_space<vmem_shared>>) attributes {dimension_semantics = [#tpu.dimension_semantics<core_parallel>, #tpu.dimension_semantics<subcore_parallel>], iteration_bounds = array<i64: 2, 16>, scalar_prefetch = 0 : i64, scratch_operands = 3 : i64, tpu.core_type = #tpu.core_type<sc_vector_subcore>, window_params = [{transform_indices = #map}, {transform_indices = #map1}, {transform_indices = #map1}, {transform_indices = #map2}]} {
    %mul3A = arith.constant 16 : i32
    %mul3A_0 = arith.muli %arg0, %mul3A : i32
    %add3A = arith.addi %mul3A_0, %arg1 : i32
    %mul3A_1 = arith.constant 632 : i32
    %mul3A_2 = arith.muli %arg1, %mul3A_1 : i32
    %mul3A_3 = arith.constant 10080 : i32
    %mul3A_4 = arith.muli %add3A, %mul3A_3 : i32
    "tpu.region"() ({
      %run_scoped3A = tpu.sem_alloc : memref<!tpu.dma_semaphore, #tpu.memory_space<semaphore_mem>>
      %dma_start3A = arith.constant 0 : i32
      %dma_start3A_11 = tpu.memref_slice %arg8[%mul3A_2, %dma_start3A] : memref<10112x128xf32, #tpu.memory_space<vmem_shared>> -> memref<632x128xf32, #tpu.memory_space<vmem_shared>>
      %dma_start3A_12 = arith.constant 0 : i32
      %dma_start3A_13 = tpu.memref_slice %arg3[%mul3A_2, %dma_start3A_12] : memref<10112x128xf32, #tpu.memory_space<hbm>> -> memref<632x128xf32, #tpu.memory_space<hbm>>
      tpu.enqueue_dma source(%dma_start3A_13 : memref<632x128xf32, #tpu.memory_space<hbm>>) target(%dma_start3A_11 : memref<632x128xf32, #tpu.memory_space<vmem_shared>>) target_semaphore(%run_scoped3A : memref<!tpu.dma_semaphore, #tpu.memory_space<semaphore_mem>>)
      %dma_wait3A = arith.constant 0 : i32
      %dma_wait3A_14 = tpu.memref_slice %arg8[%mul3A_2, %dma_wait3A] : memref<10112x128xf32, #tpu.memory_space<vmem_shared>> -> memref<632x128xf32, #tpu.memory_space<vmem_shared>>
      %dma_wait3A_15 = arith.constant 0 : i32
      %dma_wait3A_16 = tpu.memref_slice %arg3[%mul3A_2, %dma_wait3A_15] : memref<10112x128xf32, #tpu.memory_space<hbm>> -> memref<632x128xf32, #tpu.memory_space<hbm>>
      tpu.wait_dma2 semaphore(%run_scoped3A : memref<!tpu.dma_semaphore, #tpu.memory_space<semaphore_mem>>) src(%dma_wait3A_16 : memref<632x128xf32, #tpu.memory_space<hbm>>) dst(%dma_wait3A_14 : memref<632x128xf32, #tpu.memory_space<vmem_shared>>)
      tpu.yield
    }) : () -> ()
    "tpu.region"() ({
      %run_scoped3A = tpu.sem_alloc : memref<!tpu.dma_semaphore, #tpu.memory_space<semaphore_mem>>
      %dma_start3A = tpu.memref_slice %arg2[%mul3A_4] : memref<322560xi32, #tpu.memory_space<hbm>> -> memref<10080xi32, #tpu.memory_space<hbm>>
      %dma_start3A_11 = tpu.memref_slice %arg2[%mul3A_4] : memref<322560xi32, #tpu.memory_space<hbm>> -> memref<10080xi32, #tpu.memory_space<hbm>>
      tpu.enqueue_dma source(%dma_start3A_11 : memref<10080xi32, #tpu.memory_space<hbm>>) target(%arg6 : memref<10080xi32, #tpu.memory_space<vmem>>) target_semaphore(%run_scoped3A : memref<!tpu.dma_semaphore, #tpu.memory_space<semaphore_mem>>)
      %dma_wait3A = tpu.memref_slice %arg2[%mul3A_4] : memref<322560xi32, #tpu.memory_space<hbm>> -> memref<10080xi32, #tpu.memory_space<hbm>>
      %dma_wait3A_12 = tpu.memref_slice %arg2[%mul3A_4] : memref<322560xi32, #tpu.memory_space<hbm>> -> memref<10080xi32, #tpu.memory_space<hbm>>
      tpu.wait_dma2 semaphore(%run_scoped3A : memref<!tpu.dma_semaphore, #tpu.memory_space<semaphore_mem>>) src(%dma_wait3A_12 : memref<10080xi32, #tpu.memory_space<hbm>>) dst(%arg6 : memref<10080xi32, #tpu.memory_space<vmem>>)
      tpu.yield
    }) : () -> ()
    "tpu.region"() ({
      %run_scoped3A = tpu.sem_alloc : memref<!tpu.dma_semaphore, #tpu.memory_space<semaphore_mem>>
      tpu.enqueue_dma source(%arg4 : memref<96x128xf32, #tpu.memory_space<hbm>>) target(%arg7 : memref<96x128xf32, #tpu.memory_space<vmem>>) target_semaphore(%run_scoped3A : memref<!tpu.dma_semaphore, #tpu.memory_space<semaphore_mem>>)
      tpu.wait_dma2 semaphore(%run_scoped3A : memref<!tpu.dma_semaphore, #tpu.memory_space<semaphore_mem>>) src(%arg4 : memref<96x128xf32, #tpu.memory_space<hbm>>) dst(%arg7 : memref<96x128xf32, #tpu.memory_space<vmem>>)
      tpu.yield
    }) : () -> ()
    %barrier3A = arith.constant 0 : index
    tpu.barrier barrier_id(%barrier3A)
    %scan3A = arith.constant 0 : i32
    %scan3A_5 = arith.constant 0 : i32
    %scan3A_6 = arith.constant 105 : i32
    %scan3A_7 = arith.addi %scan3A_5, %scan3A_6 : i32
    %scan3A_8 = arith.constant 1 : i32
    scf.for %scan3A_11 = %scan3A_5 to %scan3A_7 step %scan3A_8  : i32 {
      %mul3A_12 = arith.constant 96 : i32
      %mul3A_13 = arith.muli %scan3A_11, %mul3A_12 : i32
      "tpu.region"() ({
        %run_scoped3A = tpu.sem_alloc : memref<!tpu.dma_semaphore, #tpu.memory_space<semaphore_mem>>
        %dma_start3A = tpu.memref_slice %arg6[%mul3A_13] : memref<10080xi32, #tpu.memory_space<vmem>> -> memref<96xi32, #tpu.memory_space<vmem>>
        %dma_start3A_14 = arith.constant 0 : i32
        %dma_start3A_15 = arith.constant 0 : i32
        %dma_start3A_16 = tpu.memref_slice %arg8[%dma_start3A_14, %dma_start3A_15] : memref<10112x128xf32, #tpu.memory_space<vmem_shared>> -> memref<10112x128xf32, #tpu.memory_space<vmem_shared>>
        tpu.enqueue_indirect_dma source(%arg7 : memref<96x128xf32, #tpu.memory_space<vmem>>) target(%dma_start3A_16 : memref<10112x128xf32, #tpu.memory_space<vmem_shared>>) offsets(%dma_start3A : memref<96xi32, #tpu.memory_space<vmem>>) semaphore(%run_scoped3A : memref<!tpu.dma_semaphore, #tpu.memory_space<semaphore_mem>>) {add = true}
        %dma_wait3A = tpu.memref_slice %arg6[%mul3A_13] : memref<10080xi32, #tpu.memory_space<vmem>> -> memref<96xi32, #tpu.memory_space<vmem>>
        %dma_wait3A_17 = arith.constant 0 : i32
        %dma_wait3A_18 = arith.constant 0 : i32
        %dma_wait3A_19 = tpu.memref_slice %arg8[%dma_wait3A_17, %dma_wait3A_18] : memref<10112x128xf32, #tpu.memory_space<vmem_shared>> -> memref<10112x128xf32, #tpu.memory_space<vmem_shared>>
        tpu.wait_indirect_dma semaphore(%run_scoped3A : memref<!tpu.dma_semaphore, #tpu.memory_space<semaphore_mem>>) src(%arg7 : memref<96x128xf32, #tpu.memory_space<vmem>>) dst(%dma_wait3A_19 : memref<10112x128xf32, #tpu.memory_space<vmem_shared>>)
        tpu.yield
      }) : () -> ()
    }
    %scan3A_9 = arith.constant 105 : i32
    %barrier3A_10 = arith.constant 0 : index
    tpu.barrier barrier_id(%barrier3A_10)
    "tpu.region"() ({
      %run_scoped3A = tpu.sem_alloc : memref<!tpu.dma_semaphore, #tpu.memory_space<semaphore_mem>>
      %dma_start3A = arith.constant 0 : i32
      %dma_start3A_11 = tpu.memref_slice %arg5[%arg0, %mul3A_2, %dma_start3A] : memref<2x10112x128xf32, #tpu.memory_space<hbm>> -> memref<1x632x128xf32, #tpu.memory_space<hbm>>
      %dma_start3A_12 = tpu.memref_squeeze %dma_start3A_11 : memref<1x632x128xf32, #tpu.memory_space<hbm>> -> memref<632x128xf32, #tpu.memory_space<hbm>>
      %dma_start3A_13 = arith.constant 0 : i32
      %dma_start3A_14 = tpu.memref_slice %arg8[%mul3A_2, %dma_start3A_13] : memref<10112x128xf32, #tpu.memory_space<vmem_shared>> -> memref<632x128xf32, #tpu.memory_space<vmem_shared>>
      tpu.enqueue_dma source(%dma_start3A_14 : memref<632x128xf32, #tpu.memory_space<vmem_shared>>) target(%dma_start3A_12 : memref<632x128xf32, #tpu.memory_space<hbm>>) target_semaphore(%run_scoped3A : memref<!tpu.dma_semaphore, #tpu.memory_space<semaphore_mem>>)
      %dma_wait3A = arith.constant 0 : i32
      %dma_wait3A_15 = tpu.memref_slice %arg5[%arg0, %mul3A_2, %dma_wait3A] : memref<2x10112x128xf32, #tpu.memory_space<hbm>> -> memref<1x632x128xf32, #tpu.memory_space<hbm>>
      %dma_wait3A_16 = tpu.memref_squeeze %dma_wait3A_15 : memref<1x632x128xf32, #tpu.memory_space<hbm>> -> memref<632x128xf32, #tpu.memory_space<hbm>>
      %dma_wait3A_17 = arith.constant 0 : i32
      %dma_wait3A_18 = tpu.memref_slice %arg8[%mul3A_2, %dma_wait3A_17] : memref<10112x128xf32, #tpu.memory_space<vmem_shared>> -> memref<632x128xf32, #tpu.memory_space<vmem_shared>>
      tpu.wait_dma2 semaphore(%run_scoped3A : memref<!tpu.dma_semaphore, #tpu.memory_space<semaphore_mem>>) src(%dma_wait3A_18 : memref<632x128xf32, #tpu.memory_space<vmem_shared>>) dst(%dma_wait3A_16 : memref<632x128xf32, #tpu.memory_space<hbm>>)
      tpu.yield
    }) : () -> ()
    return
  }
}

#map = affine_map<(d0, d1) -> (0, 0)>
#map1 = affine_map<(d0, d1) -> (0)>
#map2 = affine_map<(d0, d1) -> (0, 0, 0)>
module attributes {stable_mosaic.version = 14 : i64} {
  func.func @body(%arg0: i32, %arg1: i32, %arg2: memref<10000x128xf32, #tpu.memory_space<hbm>>, %arg3: memref<322560xi32, #tpu.memory_space<hbm>>, %arg4: memref<322560xi32, #tpu.memory_space<hbm>>, %arg5: memref<10112x128xf32, #tpu.memory_space<hbm>>, %arg6: memref<2x10112x128xf32, #tpu.memory_space<hbm>>, %arg7: memref<10080xi32, #tpu.memory_space<vmem>>, %arg8: memref<10080xi32, #tpu.memory_space<vmem>>, %arg9: memref<96x128xf32, #tpu.memory_space<vmem>>, %arg10: memref<96x128xf32, #tpu.memory_space<vmem>>, %arg11: memref<10112x128xf32, #tpu.memory_space<vmem_shared>>, %arg12: memref<!tpu.dma_semaphore, #tpu.memory_space<semaphore_mem>>, %arg13: memref<!tpu.dma_semaphore, #tpu.memory_space<semaphore_mem>>) attributes {dimension_semantics = [#tpu.dimension_semantics<core_parallel>, #tpu.dimension_semantics<subcore_parallel>], iteration_bounds = array<i64: 2, 16>, scalar_prefetch = 0 : i64, scratch_operands = 7 : i64, tpu.core_type = #tpu.core_type<sc_vector_subcore>, window_params = [{transform_indices = #map}, {transform_indices = #map1}, {transform_indices = #map1}, {transform_indices = #map}, {transform_indices = #map2}]} {
    %mul3A = arith.constant 16 : i32
    %mul3A_0 = arith.muli %arg0, %mul3A : i32
    %add3A = arith.addi %mul3A_0, %arg1 : i32
    %mul3A_1 = arith.constant 632 : i32
    %mul3A_2 = arith.muli %arg1, %mul3A_1 : i32
    %mul3A_3 = arith.constant 10080 : i32
    %mul3A_4 = arith.muli %add3A, %mul3A_3 : i32
    "tpu.region"() ({
      %run_scoped3A = tpu.sem_alloc : memref<!tpu.dma_semaphore, #tpu.memory_space<semaphore_mem>>
      %dma_start3A_20 = arith.constant 0 : i32
      %dma_start3A_21 = tpu.memref_slice %arg11[%mul3A_2, %dma_start3A_20] : memref<10112x128xf32, #tpu.memory_space<vmem_shared>> -> memref<632x128xf32, #tpu.memory_space<vmem_shared>>
      %dma_start3A_22 = arith.constant 0 : i32
      %dma_start3A_23 = tpu.memref_slice %arg5[%mul3A_2, %dma_start3A_22] : memref<10112x128xf32, #tpu.memory_space<hbm>> -> memref<632x128xf32, #tpu.memory_space<hbm>>
      tpu.enqueue_dma source(%dma_start3A_23 : memref<632x128xf32, #tpu.memory_space<hbm>>) target(%dma_start3A_21 : memref<632x128xf32, #tpu.memory_space<vmem_shared>>) target_semaphore(%run_scoped3A : memref<!tpu.dma_semaphore, #tpu.memory_space<semaphore_mem>>)
      %dma_wait3A_24 = arith.constant 0 : i32
      %dma_wait3A_25 = tpu.memref_slice %arg11[%mul3A_2, %dma_wait3A_24] : memref<10112x128xf32, #tpu.memory_space<vmem_shared>> -> memref<632x128xf32, #tpu.memory_space<vmem_shared>>
      %dma_wait3A_26 = arith.constant 0 : i32
      %dma_wait3A_27 = tpu.memref_slice %arg5[%mul3A_2, %dma_wait3A_26] : memref<10112x128xf32, #tpu.memory_space<hbm>> -> memref<632x128xf32, #tpu.memory_space<hbm>>
      tpu.wait_dma2 semaphore(%run_scoped3A : memref<!tpu.dma_semaphore, #tpu.memory_space<semaphore_mem>>) src(%dma_wait3A_27 : memref<632x128xf32, #tpu.memory_space<hbm>>) dst(%dma_wait3A_25 : memref<632x128xf32, #tpu.memory_space<vmem_shared>>)
      tpu.yield
    }) : () -> ()
    "tpu.region"() ({
      %run_scoped3A = tpu.sem_alloc : memref<!tpu.dma_semaphore, #tpu.memory_space<semaphore_mem>>
      %dma_start3A_20 = tpu.memref_slice %arg3[%mul3A_4] : memref<322560xi32, #tpu.memory_space<hbm>> -> memref<10080xi32, #tpu.memory_space<hbm>>
      %dma_start3A_21 = tpu.memref_slice %arg3[%mul3A_4] : memref<322560xi32, #tpu.memory_space<hbm>> -> memref<10080xi32, #tpu.memory_space<hbm>>
      tpu.enqueue_dma source(%dma_start3A_21 : memref<10080xi32, #tpu.memory_space<hbm>>) target(%arg7 : memref<10080xi32, #tpu.memory_space<vmem>>) target_semaphore(%run_scoped3A : memref<!tpu.dma_semaphore, #tpu.memory_space<semaphore_mem>>)
      %dma_wait3A_22 = tpu.memref_slice %arg3[%mul3A_4] : memref<322560xi32, #tpu.memory_space<hbm>> -> memref<10080xi32, #tpu.memory_space<hbm>>
      %dma_wait3A_23 = tpu.memref_slice %arg3[%mul3A_4] : memref<322560xi32, #tpu.memory_space<hbm>> -> memref<10080xi32, #tpu.memory_space<hbm>>
      tpu.wait_dma2 semaphore(%run_scoped3A : memref<!tpu.dma_semaphore, #tpu.memory_space<semaphore_mem>>) src(%dma_wait3A_23 : memref<10080xi32, #tpu.memory_space<hbm>>) dst(%arg7 : memref<10080xi32, #tpu.memory_space<vmem>>)
      tpu.yield
    }) : () -> ()
    "tpu.region"() ({
      %run_scoped3A = tpu.sem_alloc : memref<!tpu.dma_semaphore, #tpu.memory_space<semaphore_mem>>
      %dma_start3A_20 = tpu.memref_slice %arg4[%mul3A_4] : memref<322560xi32, #tpu.memory_space<hbm>> -> memref<10080xi32, #tpu.memory_space<hbm>>
      %dma_start3A_21 = tpu.memref_slice %arg4[%mul3A_4] : memref<322560xi32, #tpu.memory_space<hbm>> -> memref<10080xi32, #tpu.memory_space<hbm>>
      tpu.enqueue_dma source(%dma_start3A_21 : memref<10080xi32, #tpu.memory_space<hbm>>) target(%arg8 : memref<10080xi32, #tpu.memory_space<vmem>>) target_semaphore(%run_scoped3A : memref<!tpu.dma_semaphore, #tpu.memory_space<semaphore_mem>>)
      %dma_wait3A_22 = tpu.memref_slice %arg4[%mul3A_4] : memref<322560xi32, #tpu.memory_space<hbm>> -> memref<10080xi32, #tpu.memory_space<hbm>>
      %dma_wait3A_23 = tpu.memref_slice %arg4[%mul3A_4] : memref<322560xi32, #tpu.memory_space<hbm>> -> memref<10080xi32, #tpu.memory_space<hbm>>
      tpu.wait_dma2 semaphore(%run_scoped3A : memref<!tpu.dma_semaphore, #tpu.memory_space<semaphore_mem>>) src(%dma_wait3A_23 : memref<10080xi32, #tpu.memory_space<hbm>>) dst(%arg8 : memref<10080xi32, #tpu.memory_space<vmem>>)
      tpu.yield
    }) : () -> ()
    %barrier3A = arith.constant 0 : index
    tpu.barrier barrier_id(%barrier3A)
    %dma_start3A = arith.constant 0 : i32
    %dma_start3A_5 = tpu.memref_slice %arg7[%dma_start3A] : memref<10080xi32, #tpu.memory_space<vmem>> -> memref<96xi32, #tpu.memory_space<vmem>>
    %dma_start3A_6 = arith.constant 0 : i32
    %dma_start3A_7 = arith.constant 0 : i32
    %dma_start3A_8 = tpu.memref_slice %arg2[%dma_start3A_6, %dma_start3A_7] : memref<10000x128xf32, #tpu.memory_space<hbm>> -> memref<10000x128xf32, #tpu.memory_space<hbm>>
    tpu.enqueue_indirect_dma source(%dma_start3A_8 : memref<10000x128xf32, #tpu.memory_space<hbm>>) target(%arg9 : memref<96x128xf32, #tpu.memory_space<vmem>>) offsets(%dma_start3A_5 : memref<96xi32, #tpu.memory_space<vmem>>) semaphore(%arg12 : memref<!tpu.dma_semaphore, #tpu.memory_space<semaphore_mem>>)
    %scan3A = arith.constant 0 : i32
    %scan3A_9 = arith.constant 0 : i32
    %scan3A_10 = arith.constant 52 : i32
    %scan3A_11 = arith.addi %scan3A_9, %scan3A_10 : i32
    %scan3A_12 = arith.constant 1 : i32
    scf.for %scan3A_20 = %scan3A_9 to %scan3A_11 step %scan3A_12  : i32 {
      %mul3A_21 = arith.constant 2 : i32
      %mul3A_22 = arith.muli %mul3A_21, %scan3A_20 : i32
      %add3A_23 = arith.constant 1 : i32
      %add3A_24 = arith.addi %mul3A_22, %add3A_23 : i32
      %mul3A_25 = arith.constant 96 : i32
      %mul3A_26 = arith.muli %add3A_24, %mul3A_25 : i32
      %dma_start3A_27 = tpu.memref_slice %arg7[%mul3A_26] : memref<10080xi32, #tpu.memory_space<vmem>> -> memref<96xi32, #tpu.memory_space<vmem>>
      %dma_start3A_28 = arith.constant 0 : i32
      %dma_start3A_29 = arith.constant 0 : i32
      %dma_start3A_30 = tpu.memref_slice %arg2[%dma_start3A_28, %dma_start3A_29] : memref<10000x128xf32, #tpu.memory_space<hbm>> -> memref<10000x128xf32, #tpu.memory_space<hbm>>
      tpu.enqueue_indirect_dma source(%dma_start3A_30 : memref<10000x128xf32, #tpu.memory_space<hbm>>) target(%arg10 : memref<96x128xf32, #tpu.memory_space<vmem>>) offsets(%dma_start3A_27 : memref<96xi32, #tpu.memory_space<vmem>>) semaphore(%arg13 : memref<!tpu.dma_semaphore, #tpu.memory_space<semaphore_mem>>)
      %dma_wait3A_31 = arith.constant 0 : i32
      %dma_wait3A_32 = arith.constant 0 : i32
      %dma_wait3A_33 = tpu.memref_slice %arg2[%dma_wait3A_31, %dma_wait3A_32] : memref<10000x128xf32, #tpu.memory_space<hbm>> -> memref<96x128xf32, #tpu.memory_space<hbm>>
      %dma_wait3A_34 = arith.constant 0 : i32
      %dma_wait3A_35 = arith.constant 0 : i32
      %dma_wait3A_36 = tpu.memref_slice %arg2[%dma_wait3A_34, %dma_wait3A_35] : memref<10000x128xf32, #tpu.memory_space<hbm>> -> memref<96x128xf32, #tpu.memory_space<hbm>>
      tpu.wait_dma2 semaphore(%arg12 : memref<!tpu.dma_semaphore, #tpu.memory_space<semaphore_mem>>) src(%dma_wait3A_36 : memref<96x128xf32, #tpu.memory_space<hbm>>) dst(%arg9 : memref<96x128xf32, #tpu.memory_space<vmem>>)
      %mul3A_37 = arith.constant 96 : i32
      %mul3A_38 = arith.muli %mul3A_22, %mul3A_37 : i32
      "tpu.region"() ({
        %run_scoped3A = tpu.sem_alloc : memref<!tpu.dma_semaphore, #tpu.memory_space<semaphore_mem>>
        %dma_start3A_57 = tpu.memref_slice %arg8[%mul3A_38] : memref<10080xi32, #tpu.memory_space<vmem>> -> memref<96xi32, #tpu.memory_space<vmem>>
        %dma_start3A_58 = arith.constant 0 : i32
        %dma_start3A_59 = arith.constant 0 : i32
        %dma_start3A_60 = tpu.memref_slice %arg11[%dma_start3A_58, %dma_start3A_59] : memref<10112x128xf32, #tpu.memory_space<vmem_shared>> -> memref<10112x128xf32, #tpu.memory_space<vmem_shared>>
        tpu.enqueue_indirect_dma source(%arg9 : memref<96x128xf32, #tpu.memory_space<vmem>>) target(%dma_start3A_60 : memref<10112x128xf32, #tpu.memory_space<vmem_shared>>) offsets(%dma_start3A_57 : memref<96xi32, #tpu.memory_space<vmem>>) semaphore(%run_scoped3A : memref<!tpu.dma_semaphore, #tpu.memory_space<semaphore_mem>>) {add = true}
        %dma_wait3A_61 = tpu.memref_slice %arg8[%mul3A_38] : memref<10080xi32, #tpu.memory_space<vmem>> -> memref<96xi32, #tpu.memory_space<vmem>>
        %dma_wait3A_62 = arith.constant 0 : i32
        %dma_wait3A_63 = arith.constant 0 : i32
        %dma_wait3A_64 = tpu.memref_slice %arg11[%dma_wait3A_62, %dma_wait3A_63] : memref<10112x128xf32, #tpu.memory_space<vmem_shared>> -> memref<10112x128xf32, #tpu.memory_space<vmem_shared>>
        tpu.wait_indirect_dma semaphore(%run_scoped3A : memref<!tpu.dma_semaphore, #tpu.memory_space<semaphore_mem>>) src(%arg9 : memref<96x128xf32, #tpu.memory_space<vmem>>) dst(%dma_wait3A_64 : memref<10112x128xf32, #tpu.memory_space<vmem_shared>>)
        tpu.yield
      }) : () -> ()
      %add3A_39 = arith.constant 2 : i32
      %add3A_40 = arith.addi %mul3A_22, %add3A_39 : i32
      %mul3A_41 = arith.constant 96 : i32
      %mul3A_42 = arith.muli %add3A_40, %mul3A_41 : i32
      %dma_start3A_43 = tpu.memref_slice %arg7[%mul3A_42] : memref<10080xi32, #tpu.memory_space<vmem>> -> memref<96xi32, #tpu.memory_space<vmem>>
      %dma_start3A_44 = arith.constant 0 : i32
      %dma_start3A_45 = arith.constant 0 : i32
      %dma_start3A_46 = tpu.memref_slice %arg2[%dma_start3A_44, %dma_start3A_45] : memref<10000x128xf32, #tpu.memory_space<hbm>> -> memref<10000x128xf32, #tpu.memory_space<hbm>>
      tpu.enqueue_indirect_dma source(%dma_start3A_46 : memref<10000x128xf32, #tpu.memory_space<hbm>>) target(%arg9 : memref<96x128xf32, #tpu.memory_space<vmem>>) offsets(%dma_start3A_43 : memref<96xi32, #tpu.memory_space<vmem>>) semaphore(%arg12 : memref<!tpu.dma_semaphore, #tpu.memory_space<semaphore_mem>>)
      %dma_wait3A_47 = arith.constant 0 : i32
      %dma_wait3A_48 = arith.constant 0 : i32
      %dma_wait3A_49 = tpu.memref_slice %arg2[%dma_wait3A_47, %dma_wait3A_48] : memref<10000x128xf32, #tpu.memory_space<hbm>> -> memref<96x128xf32, #tpu.memory_space<hbm>>
      %dma_wait3A_50 = arith.constant 0 : i32
      %dma_wait3A_51 = arith.constant 0 : i32
      %dma_wait3A_52 = tpu.memref_slice %arg2[%dma_wait3A_50, %dma_wait3A_51] : memref<10000x128xf32, #tpu.memory_space<hbm>> -> memref<96x128xf32, #tpu.memory_space<hbm>>
      tpu.wait_dma2 semaphore(%arg13 : memref<!tpu.dma_semaphore, #tpu.memory_space<semaphore_mem>>) src(%dma_wait3A_52 : memref<96x128xf32, #tpu.memory_space<hbm>>) dst(%arg10 : memref<96x128xf32, #tpu.memory_space<vmem>>)
      %add3A_53 = arith.constant 1 : i32
      %add3A_54 = arith.addi %mul3A_22, %add3A_53 : i32
      %mul3A_55 = arith.constant 96 : i32
      %mul3A_56 = arith.muli %add3A_54, %mul3A_55 : i32
      "tpu.region"() ({
        %run_scoped3A = tpu.sem_alloc : memref<!tpu.dma_semaphore, #tpu.memory_space<semaphore_mem>>
        %dma_start3A_57 = tpu.memref_slice %arg8[%mul3A_56] : memref<10080xi32, #tpu.memory_space<vmem>> -> memref<96xi32, #tpu.memory_space<vmem>>
        %dma_start3A_58 = arith.constant 0 : i32
        %dma_start3A_59 = arith.constant 0 : i32
        %dma_start3A_60 = tpu.memref_slice %arg11[%dma_start3A_58, %dma_start3A_59] : memref<10112x128xf32, #tpu.memory_space<vmem_shared>> -> memref<10112x128xf32, #tpu.memory_space<vmem_shared>>
        tpu.enqueue_indirect_dma source(%arg10 : memref<96x128xf32, #tpu.memory_space<vmem>>) target(%dma_start3A_60 : memref<10112x128xf32, #tpu.memory_space<vmem_shared>>) offsets(%dma_start3A_57 : memref<96xi32, #tpu.memory_space<vmem>>) semaphore(%run_scoped3A : memref<!tpu.dma_semaphore, #tpu.memory_space<semaphore_mem>>) {add = true}
        %dma_wait3A_61 = tpu.memref_slice %arg8[%mul3A_56] : memref<10080xi32, #tpu.memory_space<vmem>> -> memref<96xi32, #tpu.memory_space<vmem>>
        %dma_wait3A_62 = arith.constant 0 : i32
        %dma_wait3A_63 = arith.constant 0 : i32
        %dma_wait3A_64 = tpu.memref_slice %arg11[%dma_wait3A_62, %dma_wait3A_63] : memref<10112x128xf32, #tpu.memory_space<vmem_shared>> -> memref<10112x128xf32, #tpu.memory_space<vmem_shared>>
        tpu.wait_indirect_dma semaphore(%run_scoped3A : memref<!tpu.dma_semaphore, #tpu.memory_space<semaphore_mem>>) src(%arg10 : memref<96x128xf32, #tpu.memory_space<vmem>>) dst(%dma_wait3A_64 : memref<10112x128xf32, #tpu.memory_space<vmem_shared>>)
        tpu.yield
      }) : () -> ()
    }
    %scan3A_13 = arith.constant 52 : i32
    %dma_wait3A = arith.constant 0 : i32
    %dma_wait3A_14 = arith.constant 0 : i32
    %dma_wait3A_15 = tpu.memref_slice %arg2[%dma_wait3A, %dma_wait3A_14] : memref<10000x128xf32, #tpu.memory_space<hbm>> -> memref<96x128xf32, #tpu.memory_space<hbm>>
    %dma_wait3A_16 = arith.constant 0 : i32
    %dma_wait3A_17 = arith.constant 0 : i32
    %dma_wait3A_18 = tpu.memref_slice %arg2[%dma_wait3A_16, %dma_wait3A_17] : memref<10000x128xf32, #tpu.memory_space<hbm>> -> memref<96x128xf32, #tpu.memory_space<hbm>>
    tpu.wait_dma2 semaphore(%arg12 : memref<!tpu.dma_semaphore, #tpu.memory_space<semaphore_mem>>) src(%dma_wait3A_18 : memref<96x128xf32, #tpu.memory_space<hbm>>) dst(%arg9 : memref<96x128xf32, #tpu.memory_space<vmem>>)
    "tpu.region"() ({
      %run_scoped3A = tpu.sem_alloc : memref<!tpu.dma_semaphore, #tpu.memory_space<semaphore_mem>>
      %dma_start3A_20 = arith.constant 9984 : i32
      %dma_start3A_21 = tpu.memref_slice %arg8[%dma_start3A_20] : memref<10080xi32, #tpu.memory_space<vmem>> -> memref<96xi32, #tpu.memory_space<vmem>>
      %dma_start3A_22 = arith.constant 0 : i32
      %dma_start3A_23 = arith.constant 0 : i32
      %dma_start3A_24 = tpu.memref_slice %arg11[%dma_start3A_22, %dma_start3A_23] : memref<10112x128xf32, #tpu.memory_space<vmem_shared>> -> memref<10112x128xf32, #tpu.memory_space<vmem_shared>>
      tpu.enqueue_indirect_dma source(%arg9 : memref<96x128xf32, #tpu.memory_space<vmem>>) target(%dma_start3A_24 : memref<10112x128xf32, #tpu.memory_space<vmem_shared>>) offsets(%dma_start3A_21 : memref<96xi32, #tpu.memory_space<vmem>>) semaphore(%run_scoped3A : memref<!tpu.dma_semaphore, #tpu.memory_space<semaphore_mem>>) {add = true}
      %dma_wait3A_25 = arith.constant 9984 : i32
      %dma_wait3A_26 = tpu.memref_slice %arg8[%dma_wait3A_25] : memref<10080xi32, #tpu.memory_space<vmem>> -> memref<96xi32, #tpu.memory_space<vmem>>
      %dma_wait3A_27 = arith.constant 0 : i32
      %dma_wait3A_28 = arith.constant 0 : i32
      %dma_wait3A_29 = tpu.memref_slice %arg11[%dma_wait3A_27, %dma_wait3A_28] : memref<10112x128xf32, #tpu.memory_space<vmem_shared>> -> memref<10112x128xf32, #tpu.memory_space<vmem_shared>>
      tpu.wait_indirect_dma semaphore(%run_scoped3A : memref<!tpu.dma_semaphore, #tpu.memory_space<semaphore_mem>>) src(%arg9 : memref<96x128xf32, #tpu.memory_space<vmem>>) dst(%dma_wait3A_29 : memref<10112x128xf32, #tpu.memory_space<vmem_shared>>)
      tpu.yield
    }) : () -> ()
    %barrier3A_19 = arith.constant 0 : index
    tpu.barrier barrier_id(%barrier3A_19)
    "tpu.region"() ({
      %run_scoped3A = tpu.sem_alloc : memref<!tpu.dma_semaphore, #tpu.memory_space<semaphore_mem>>
      %dma_start3A_20 = arith.constant 0 : i32
      %dma_start3A_21 = tpu.memref_slice %arg6[%arg0, %mul3A_2, %dma_start3A_20] : memref<2x10112x128xf32, #tpu.memory_space<hbm>> -> memref<1x632x128xf32, #tpu.memory_space<hbm>>
      %dma_start3A_22 = tpu.memref_squeeze %dma_start3A_21 : memref<1x632x128xf32, #tpu.memory_space<hbm>> -> memref<632x128xf32, #tpu.memory_space<hbm>>
      %dma_start3A_23 = arith.constant 0 : i32
      %dma_start3A_24 = tpu.memref_slice %arg11[%mul3A_2, %dma_start3A_23] : memref<10112x128xf32, #tpu.memory_space<vmem_shared>> -> memref<632x128xf32, #tpu.memory_space<vmem_shared>>
      tpu.enqueue_dma source(%dma_start3A_24 : memref<632x128xf32, #tpu.memory_space<vmem_shared>>) target(%dma_start3A_22 : memref<632x128xf32, #tpu.memory_space<hbm>>) target_semaphore(%run_scoped3A : memref<!tpu.dma_semaphore, #tpu.memory_space<semaphore_mem>>)
      %dma_wait3A_25 = arith.constant 0 : i32
      %dma_wait3A_26 = tpu.memref_slice %arg6[%arg0, %mul3A_2, %dma_wait3A_25] : memref<2x10112x128xf32, #tpu.memory_space<hbm>> -> memref<1x632x128xf32, #tpu.memory_space<hbm>>
      %dma_wait3A_27 = tpu.memref_squeeze %dma_wait3A_26 : memref<1x632x128xf32, #tpu.memory_space<hbm>> -> memref<632x128xf32, #tpu.memory_space<hbm>>
      %dma_wait3A_28 = arith.constant 0 : i32
      %dma_wait3A_29 = tpu.memref_slice %arg11[%mul3A_2, %dma_wait3A_28] : memref<10112x128xf32, #tpu.memory_space<vmem_shared>> -> memref<632x128xf32, #tpu.memory_space<vmem_shared>>
      tpu.wait_dma2 semaphore(%run_scoped3A : memref<!tpu.dma_semaphore, #tpu.memory_space<semaphore_mem>>) src(%dma_wait3A_29 : memref<632x128xf32, #tpu.memory_space<vmem_shared>>) dst(%dma_wait3A_27 : memref<632x128xf32, #tpu.memory_space<hbm>>)
      tpu.yield
    }) : () -> ()
    return
  }
}

module attributes {stable_mosaic.version = 14 : i64} {
  func.func @_tc_layer1(%arg0: i32, %arg1: memref<2x1000x128xf32, #tpu.memory_space<vmem>>, %arg2: memref<2x1000x128xf32, #tpu.memory_space<vmem>>, %arg3: memref<1000x128xf32, #tpu.memory_space<vmem>>, %arg4: memref<256x128xf32, #tpu.memory_space<vmem>>, %arg5: memref<1x256xf32, #tpu.memory_space<vmem>>, %arg6: memref<256x128xf32, #tpu.memory_space<vmem>>, %arg7: memref<128x256xf32, #tpu.memory_space<vmem>>, %arg8: memref<128x256xf32, #tpu.memory_space<vmem>>, %arg9: memref<1x128xf32, #tpu.memory_space<vmem>>, %arg10: memref<1000x128xf32, #tpu.memory_space<vmem>>, %arg11: memref<1000x128xf32, #tpu.memory_space<vmem>>, %arg12: memref<1000x128xf32, #tpu.memory_space<vmem>>) attributes {dimension_semantics = [#tpu.dimension_semantics<arbitrary>], iteration_bounds = array<i64: 10>, scalar_prefetch = 0 : i64, scratch_operands = 0 : i64, tpu.core_type = #tpu.core_type<tc>, window_params = [{transform_indices = @transform_0, window_bounds = array<i64: 2, 1000, 128>}, {transform_indices = @transform_1, window_bounds = array<i64: 2, 1000, 128>}, {transform_indices = @transform_2, window_bounds = array<i64: 1000, 128>}, {pipeline_mode = #tpu.pipeline_mode<synchronous>, transform_indices = @transform_3, window_bounds = array<i64: 256, 128>}, {pipeline_mode = #tpu.pipeline_mode<synchronous>, transform_indices = @transform_4, window_bounds = array<i64: 1, 256>}, {pipeline_mode = #tpu.pipeline_mode<synchronous>, transform_indices = @transform_5, window_bounds = array<i64: 256, 128>}, {pipeline_mode = #tpu.pipeline_mode<synchronous>, transform_indices = @transform_6, window_bounds = array<i64: 128, 256>}, {pipeline_mode = #tpu.pipeline_mode<synchronous>, transform_indices = @transform_7, window_bounds = array<i64: 128, 256>}, {pipeline_mode = #tpu.pipeline_mode<synchronous>, transform_indices = @transform_8, window_bounds = array<i64: 1, 128>}, {transform_indices = @transform_9, window_bounds = array<i64: 1000, 128>}, {transform_indices = @transform_10, window_bounds = array<i64: 1000, 128>}, {transform_indices = @transform_11, window_bounds = array<i64: 1000, 128>}]} {
    %get3A = arith.constant 0 : index
    %get3A_0 = arith.constant 0 : index
    %get3A_1 = arith.constant 0 : index
    %get3A_2 = vector.load %arg1[%get3A, %get3A_0, %get3A_1] : memref<2x1000x128xf32, #tpu.memory_space<vmem>>, vector<1x1000x128xf32>
    %get3A_3 = vector.shape_cast %get3A_2 : vector<1x1000x128xf32> to vector<1000x128xf32>
    %get3A_4 = arith.constant 1 : index
    %get3A_5 = arith.constant 0 : index
    %get3A_6 = arith.constant 0 : index
    %get3A_7 = vector.load %arg1[%get3A_4, %get3A_5, %get3A_6] : memref<2x1000x128xf32, #tpu.memory_space<vmem>>, vector<1x1000x128xf32>
    %get3A_8 = vector.shape_cast %get3A_7 : vector<1x1000x128xf32> to vector<1000x128xf32>
    %add3A = arith.addf %get3A_3, %get3A_8 : vector<1000x128xf32>
    %get3A_9 = arith.constant 0 : index
    %get3A_10 = arith.constant 0 : index
    %get3A_11 = arith.constant 0 : index
    %get3A_12 = vector.load %arg2[%get3A_9, %get3A_10, %get3A_11] : memref<2x1000x128xf32, #tpu.memory_space<vmem>>, vector<1x1000x128xf32>
    %get3A_13 = vector.shape_cast %get3A_12 : vector<1x1000x128xf32> to vector<1000x128xf32>
    %get3A_14 = arith.constant 1 : index
    %get3A_15 = arith.constant 0 : index
    %get3A_16 = arith.constant 0 : index
    %get3A_17 = vector.load %arg2[%get3A_14, %get3A_15, %get3A_16] : memref<2x1000x128xf32, #tpu.memory_space<vmem>>, vector<1x1000x128xf32>
    %get3A_18 = vector.shape_cast %get3A_17 : vector<1x1000x128xf32> to vector<1000x128xf32>
    %add3A_19 = arith.addf %get3A_13, %get3A_18 : vector<1000x128xf32>
    %max3A = arith.constant 1.000000e+00 : f32
    %max3A_20 = vector.broadcast %max3A : f32 to vector<1000x128xf32>
    %max3A_21 = arith.maximumf %add3A_19, %max3A_20 : vector<1000x128xf32>
    %div3A = arith.constant 1.000000e+00 : f32
    %div3A_22 = vector.broadcast %div3A : f32 to vector<1000x128xf32>
    %div3A_23 = arith.divf %div3A_22, %max3A_21 : vector<1000x128xf32>
    %mul3A = arith.mulf %add3A, %div3A_23 : vector<1000x128xf32>
    %get3A_24 = arith.constant 0 : index
    %get3A_25 = arith.constant 0 : index
    %get3A_26 = vector.load %arg4[%get3A_24, %get3A_25] : memref<256x128xf32, #tpu.memory_space<vmem>>, vector<256x128xf32>
    %dot_general3A = arith.constant dense<0.000000e+00> : vector<1000x256xf32>
    %dot_general3A_27 = tpu.matmul %mul3A, %get3A_26, %dot_general3A {dimension_numbers = #tpu.dot_dimension_numbers<[1], [1], [0], [0], [0, 0, 1, 0], [], []>, transpose_lhs_hint = false} : vector<1000x128xf32>, vector<256x128xf32>, vector<1000x256xf32> -> vector<1000x256xf32>
    %get3A_28 = arith.constant 0 : index
    %get3A_29 = arith.constant 0 : index
    %get3A_30 = vector.load %arg5[%get3A_28, %get3A_29] : memref<1x256xf32, #tpu.memory_space<vmem>>, vector<1x256xf32>
    %add3A_31 = vector.broadcast %get3A_30 : vector<1x256xf32> to vector<1000x256xf32>
    %add3A_32 = arith.addf %dot_general3A_27, %add3A_31 : vector<1000x256xf32>
    %get3A_33 = arith.constant 0 : index
    %get3A_34 = arith.constant 0 : index
    %get3A_35 = vector.load %arg3[%get3A_33, %get3A_34] : memref<1000x128xf32, #tpu.memory_space<vmem>>, vector<1000x128xf32>
    %get3A_36 = arith.constant 0 : index
    %get3A_37 = arith.constant 0 : index
    %get3A_38 = vector.load %arg6[%get3A_36, %get3A_37] : memref<256x128xf32, #tpu.memory_space<vmem>>, vector<256x128xf32>
    %dot_general3A_39 = arith.constant dense<0.000000e+00> : vector<1000x256xf32>
    %dot_general3A_40 = tpu.matmul %get3A_35, %get3A_38, %dot_general3A_39 {dimension_numbers = #tpu.dot_dimension_numbers<[1], [1], [0], [0], [0, 0, 1, 0], [], []>, transpose_lhs_hint = false} : vector<1000x128xf32>, vector<256x128xf32>, vector<1000x256xf32> -> vector<1000x256xf32>
    %add3A_41 = arith.addf %add3A_32, %dot_general3A_40 : vector<1000x256xf32>
    %max3A_42 = arith.constant 0.000000e+00 : f32
    %max3A_43 = vector.broadcast %max3A_42 : f32 to vector<1000x256xf32>
    %max3A_44 = arith.maximumf %add3A_41, %max3A_43 : vector<1000x256xf32>
    %get3A_45 = arith.constant 0 : index
    %get3A_46 = arith.constant 0 : index
    %get3A_47 = vector.load %arg7[%get3A_45, %get3A_46] : memref<128x256xf32, #tpu.memory_space<vmem>>, vector<128x256xf32>
    %dot_general3A_48 = arith.constant dense<0.000000e+00> : vector<1000x128xf32>
    %dot_general3A_49 = tpu.matmul %max3A_44, %get3A_47, %dot_general3A_48 {dimension_numbers = #tpu.dot_dimension_numbers<[1], [1], [0], [0], [0, 0, 1, 0], [], []>, transpose_lhs_hint = false} : vector<1000x256xf32>, vector<128x256xf32>, vector<1000x128xf32> -> vector<1000x128xf32>
    %swap3A = arith.constant 0 : index
    %swap3A_50 = arith.constant 0 : index
    %swap3A_51 = vector.load %arg10[%swap3A, %swap3A_50] : memref<1000x128xf32, #tpu.memory_space<vmem>>, vector<1000x128xf32>
    tpu.vector_store %arg10[%swap3A, %swap3A_50], %dot_general3A_49 {strides = array<i32>} : memref<1000x128xf32, #tpu.memory_space<vmem>>, vector<1000x128xf32>,
    %get3A_52 = arith.constant 0 : index
    %get3A_53 = arith.constant 0 : index
    %get3A_54 = vector.load %arg8[%get3A_52, %get3A_53] : memref<128x256xf32, #tpu.memory_space<vmem>>, vector<128x256xf32>
    %dot_general3A_55 = arith.constant dense<0.000000e+00> : vector<1000x128xf32>
    %dot_general3A_56 = tpu.matmul %max3A_44, %get3A_54, %dot_general3A_55 {dimension_numbers = #tpu.dot_dimension_numbers<[1], [1], [0], [0], [0, 0, 1, 0], [], []>, transpose_lhs_hint = false} : vector<1000x256xf32>, vector<128x256xf32>, vector<1000x128xf32> -> vector<1000x128xf32>
    %get3A_57 = arith.constant 0 : index
    %get3A_58 = arith.constant 0 : index
    %get3A_59 = vector.load %arg9[%get3A_57, %get3A_58] : memref<1x128xf32, #tpu.memory_space<vmem>>, vector<1x128xf32>
    %add3A_60 = vector.broadcast %get3A_59 : vector<1x128xf32> to vector<1000x128xf32>
    %add3A_61 = arith.addf %dot_general3A_56, %add3A_60 : vector<1000x128xf32>
    %swap3A_62 = arith.constant 0 : index
    %swap3A_63 = arith.constant 0 : index
    %swap3A_64 = vector.load %arg11[%swap3A_62, %swap3A_63] : memref<1000x128xf32, #tpu.memory_space<vmem>>, vector<1000x128xf32>
    tpu.vector_store %arg11[%swap3A_62, %swap3A_63], %add3A_61 {strides = array<i32>} : memref<1000x128xf32, #tpu.memory_space<vmem>>, vector<1000x128xf32>,
    %swap3A_65 = arith.constant 0 : index
    %swap3A_66 = arith.constant 0 : index
    %swap3A_67 = vector.load %arg12[%swap3A_65, %swap3A_66] : memref<1000x128xf32, #tpu.memory_space<vmem>>, vector<1000x128xf32>
    tpu.vector_store %arg12[%swap3A_65, %swap3A_66], %div3A_23 {strides = array<i32>} : memref<1000x128xf32, #tpu.memory_space<vmem>>, vector<1000x128xf32>,
    return
  }
  func.func @transform_0(%arg0: i32) -> (i32, i32, i32) {
    %c0_i32 = arith.constant 0 : i32
    %c0_i32_0 = arith.constant 0 : i32
    %c0_i32_1 = arith.constant 0 : i32
    return %c0_i32, %arg0, %c0_i32_0 : i32, i32, i32
  }
  func.func @transform_1(%arg0: i32) -> (i32, i32, i32) {
    %c0_i32 = arith.constant 0 : i32
    %c0_i32_0 = arith.constant 0 : i32
    %c0_i32_1 = arith.constant 0 : i32
    return %c0_i32, %arg0, %c0_i32_0 : i32, i32, i32
  }
  func.func @transform_2(%arg0: i32) -> (i32, i32) {
    %c0_i32 = arith.constant 0 : i32
    %c0_i32_0 = arith.constant 0 : i32
    return %arg0, %c0_i32 : i32, i32
  }
  func.func @transform_3(%arg0: i32) -> (i32, i32) {
    %c0_i32 = arith.constant 0 : i32
    %c0_i32_0 = arith.constant 0 : i32
    %c0_i32_1 = arith.constant 0 : i32
    return %c0_i32, %c0_i32_0 : i32, i32
  }
  func.func @transform_4(%arg0: i32) -> (i32, i32) {
    %c0_i32 = arith.constant 0 : i32
    %c0_i32_0 = arith.constant 0 : i32
    %c0_i32_1 = arith.constant 0 : i32
    return %c0_i32, %c0_i32_0 : i32, i32
  }
  func.func @transform_5(%arg0: i32) -> (i32, i32) {
    %c0_i32 = arith.constant 0 : i32
    %c0_i32_0 = arith.constant 0 : i32
    %c0_i32_1 = arith.constant 0 : i32
    return %c0_i32, %c0_i32_0 : i32, i32
  }
  func.func @transform_6(%arg0: i32) -> (i32, i32) {
    %c0_i32 = arith.constant 0 : i32
    %c0_i32_0 = arith.constant 0 : i32
    %c0_i32_1 = arith.constant 0 : i32
    return %c0_i32, %c0_i32_0 : i32, i32
  }
  func.func @transform_7(%arg0: i32) -> (i32, i32) {
    %c0_i32 = arith.constant 0 : i32
    %c0_i32_0 = arith.constant 0 : i32
    %c0_i32_1 = arith.constant 0 : i32
    return %c0_i32, %c0_i32_0 : i32, i32
  }
  func.func @transform_8(%arg0: i32) -> (i32, i32) {
    %c0_i32 = arith.constant 0 : i32
    %c0_i32_0 = arith.constant 0 : i32
    %c0_i32_1 = arith.constant 0 : i32
    return %c0_i32, %c0_i32_0 : i32, i32
  }
  func.func @transform_9(%arg0: i32) -> (i32, i32) {
    %c0_i32 = arith.constant 0 : i32
    %c0_i32_0 = arith.constant 0 : i32
    return %arg0, %c0_i32 : i32, i32
  }
  func.func @transform_10(%arg0: i32) -> (i32, i32) {
    %c0_i32 = arith.constant 0 : i32
    %c0_i32_0 = arith.constant 0 : i32
    return %arg0, %c0_i32 : i32, i32
  }
  func.func @transform_11(%arg0: i32) -> (i32, i32) {
    %c0_i32 = arith.constant 0 : i32
    %c0_i32_0 = arith.constant 0 : i32
    return %arg0, %c0_i32 : i32, i32
  }
}

module attributes {stable_mosaic.version = 14 : i64} {
  func.func @_tc_final(%arg0: i32, %arg1: memref<2x1000x128xf32, #tpu.memory_space<vmem>>, %arg2: memref<1000x128xf32, #tpu.memory_space<vmem>>, %arg3: memref<1000x128xf32, #tpu.memory_space<vmem>>, %arg4: memref<1000x128xf32, #tpu.memory_space<vmem>>) attributes {dimension_semantics = [#tpu.dimension_semantics<arbitrary>], iteration_bounds = array<i64: 10>, scalar_prefetch = 0 : i64, scratch_operands = 0 : i64, tpu.core_type = #tpu.core_type<tc>, window_params = [{transform_indices = @transform_0, window_bounds = array<i64: 2, 1000, 128>}, {transform_indices = @transform_1, window_bounds = array<i64: 1000, 128>}, {transform_indices = @transform_2, window_bounds = array<i64: 1000, 128>}, {transform_indices = @transform_3, window_bounds = array<i64: 1000, 128>}]} {
    %get3A = arith.constant 0 : index
    %get3A_0 = arith.constant 0 : index
    %get3A_1 = arith.constant 0 : index
    %get3A_2 = vector.load %arg1[%get3A, %get3A_0, %get3A_1] : memref<2x1000x128xf32, #tpu.memory_space<vmem>>, vector<1x1000x128xf32>
    %get3A_3 = vector.shape_cast %get3A_2 : vector<1x1000x128xf32> to vector<1000x128xf32>
    %get3A_4 = arith.constant 1 : index
    %get3A_5 = arith.constant 0 : index
    %get3A_6 = arith.constant 0 : index
    %get3A_7 = vector.load %arg1[%get3A_4, %get3A_5, %get3A_6] : memref<2x1000x128xf32, #tpu.memory_space<vmem>>, vector<1x1000x128xf32>
    %get3A_8 = vector.shape_cast %get3A_7 : vector<1x1000x128xf32> to vector<1000x128xf32>
    %add3A = arith.addf %get3A_3, %get3A_8 : vector<1000x128xf32>
    %get3A_9 = arith.constant 0 : index
    %get3A_10 = arith.constant 0 : index
    %get3A_11 = vector.load %arg2[%get3A_9, %get3A_10] : memref<1000x128xf32, #tpu.memory_space<vmem>>, vector<1000x128xf32>
    %mul3A = arith.mulf %add3A, %get3A_11 : vector<1000x128xf32>
    %get3A_12 = arith.constant 0 : index
    %get3A_13 = arith.constant 0 : index
    %get3A_14 = vector.load %arg3[%get3A_12, %get3A_13] : memref<1000x128xf32, #tpu.memory_space<vmem>>, vector<1000x128xf32>
    %add3A_15 = arith.addf %mul3A, %get3A_14 : vector<1000x128xf32>
    %swap3A = arith.constant 0 : index
    %swap3A_16 = arith.constant 0 : index
    %swap3A_17 = vector.load %arg4[%swap3A, %swap3A_16] : memref<1000x128xf32, #tpu.memory_space<vmem>>, vector<1000x128xf32>
    tpu.vector_store %arg4[%swap3A, %swap3A_16], %add3A_15 {strides = array<i32>} : memref<1000x128xf32, #tpu.memory_space<vmem>>, vector<1000x128xf32>,
    return
  }
  func.func @transform_0(%arg0: i32) -> (i32, i32, i32) {
    %c0_i32 = arith.constant 0 : i32
    %c0_i32_0 = arith.constant 0 : i32
    %c0_i32_1 = arith.constant 0 : i32
    return %c0_i32, %arg0, %c0_i32_0 : i32, i32, i32
  }
  func.func @transform_1(%arg0: i32) -> (i32, i32) {
    %c0_i32 = arith.constant 0 : i32
    %c0_i32_0 = arith.constant 0 : i32
    return %arg0, %c0_i32 : i32, i32
  }
  func.func @transform_2(%arg0: i32) -> (i32, i32) {
    %c0_i32 = arith.constant 0 : i32
    %c0_i32_0 = arith.constant 0 : i32
    return %arg0, %c0_i32 : i32, i32
  }
  func.func @transform_3(%arg0: i32) -> (i32, i32) {
    %c0_i32 = arith.constant 0 : i32
    %c0_i32_0 = arith.constant 0 : i32
    return %arg0, %c0_i32 : i32, i32
  }
}

</mosaic_0001>

<sc_bundles>
// kernel: kernel.10.cloned.1.call-start
scs
__scs_entry_jumppad:
0x0: {  	(pc) =	sbr.rel $0x88, $3  }
0x1: {  	(tag) =	ssettag $0x0;
	lr =	simm.s32 $0x1  }
0x2: {  	[smem:$0x3F99] =	sst lr;
	_ =	strace $0xD0000000  }
0x3: {  	_ = 	snop  }
0x4: {  	_ = 	snop  }
0x5: {  	_ = 	snop  }
0x6: {  	_ = 	snop  }
0x7: {  	_ = 	snop  }
__scs_overlays_trampoline_lowered:
0x8: {  	[smem:$0x3FA8] =	sst s0  }
0x9: {  	[smem:$0x3FA9] =	sst s1  }
0xa: {  	[smem:$0x3FAA] =	sst s2  }
0xb: {  	[smem:$0x3FAB] =	sst s3  }
0xc: {  	[smem:$0x3FAC] =	sst s4  }
0xd: {  	[smem:$0x3FAD] =	sst s5  }
0xe: {  	[smem:$0x3FAE] =	sst s6  }
0xf: {  	[smem:$0x3FAF] =	sst s7  }
0x10: {  	[smem:$0x3FB0] =	sst s8  }
0x11: {  	[smem:$0x3FB1] =	sst s9;
	s0 =	simm.s32 @!p0 $0x0  }
0x12: {  	s1 =	sld [smem:$0x3F97];
	s0 =	simm.s32 @p0 $0x1  }
0x13: {  	[smem:$0x3FB2] =	sst s0;
	s0 =	simm.s32 @!p1 $0x0  }
0x14: {  	s2 =	sld [smem:$0x3F96];
	s0 =	simm.s32 @p1 $0x1  }
0x15: {  	[smem:$0x3FB3] =	sst s0;
	s0 =	simm.s32 @!p2 $0x0  }
0x16: {  	s3 =	sld [smem:$0x3FDB];
	s0 =	simm.s32 @p2 $0x1  }
0x17: {  	s4 =	simm.s32 $0x1BF5;
	[smem:$0x3FB5] =	sst s0  }
0x18: {  	s0 =	sld [smem:$0x3F98];
	_ =	swait.ge [sflag:s4], $0x0  }
0x19: {  	s7 =	sld [smem:$0x3F99]  }
0x1a: {  	s8 =	sadd.s32 $0xFFFFE003, lr  }
0x1b: {  	s9 =	sadd.s32 $0xFFFFFEF7, lr;
	s5 =	simm.s32 $0xFFFFFFFF;
	p2 =	slt.u32 s8, $0xFFFFF086  }
0x1c: {  	p1 =	slt.u32 s9, $0xF7A;
	s5 =	simm.s32 @!p2 $0x0  }
0x1d: {  	s5 =	simm.s32 @p1 $0x1;
	p0 =	seq.s32 s7, s2  }
0x1e: {  	s7 =	smul.u32 @!p0 $0xF7A, s2;
	p2 =	seq.s32 @!p0 s5, $0x0  }
0x1f: {  	s9 =	smul.u32 $0xF7A, s1;
	s8 =	simm.s32 @!p0 $0x1BF5;
	p2 =	por !p2, p0  }
0x20: {  	[sflag:s8] =	ssyncset.s32 @!p0 $0xFFFFF086;
	s6 =	sadd.s32 @!p0 s3, s7;
	s7 =	simm.s32 @!p0 $0x108  }
0x21: {  	s3 =	sadd.s32 s3, s9;
	s6 =	sadd.s32 @!p0 $0x88, s6;
	s7 =	simm.s32 @p2 $0x1082  }
0x22: {  	[simem:s7], [sflag:s8] =	dma.local @!p0 [hbm:s6], $0xF7A  }
0x23: {  	s9 =	sor.u32 $0xD0000000, s2;
	s6 =	simm.s32 $0x108;
	_ =	swait.ge @!p0 [sflag:s8], $0x0  }
0x24: {  	s3 =	sadd.s32 $0x88, s3;
	s6 =	simm.s32 @!p1 $0x1082;
	[sflag:s4] =	ssyncset.s32 $0xFFFFF086  }
0x25: {  	[simem:s6], [sflag:s4] =	dma.local [hbm:s3], $0xF7A  }
0x26: {  	[smem:$0x3F99] =	sst s1;
	(tag) =	ssettag s2;
	_ =	strace s9  }
0x27: {  	s1 =	sld [smem:$0x3FA9]  }
0x28: {  	s2 =	sld [smem:$0x3FAA]  }
0x29: {  	s4 =	sld [smem:$0x3FAC]  }
0x2a: {  	p0 =	seq.s32 s5, $0x0;
	s5 =	sld [smem:$0x3FAD]  }
0x2b: {  	s6 =	sld [smem:$0x3FAE]  }
0x2c: {  	s7 =	sld [smem:$0x3FAF]  }
0x2d: {  	s3 =	simm.s32 $0x108;
	s8 =	sld [smem:$0x3FB0]  }
0x2e: {  	s3 =	simm.s32 @!p0 $0x1082;
	s9 =	sld [smem:$0x3FB1]  }
0x2f: {  	lr =	sadd.s32 s0, s3;
	s0 =	sld [smem:$0x3FA8]  }
0x30: {  	s3 =	sld [smem:$0x3FAB]  }
0x31: {  	[smem:$0x3FB4] =	sst s10  }
0x32: {  	s10 =	sld [smem:$0x3FB2];
	_ =	sdelay $0x3  }
0x33: {  	p0 =	seq.s32 s10, $0x1;
	s10 =	sld [smem:$0x3FB4];
	_ =	sdelay $0x3  }
0x34: {  	[smem:$0x3FB4] =	sst s10  }
0x35: {  	s10 =	sld [smem:$0x3FB3];
	_ =	sdelay $0x3  }
0x36: {  	p1 =	seq.s32 s10, $0x1;
	s10 =	sld [smem:$0x3FB4];
	_ =	sdelay $0x3  }
0x37: {  	[smem:$0x3FB4] =	sst s10  }
0x38: {  	s10 =	sld [smem:$0x3FB5]  }
0x39: {  	_ = 	snop;
	(pc) =	sbr.ind lr, $3  }
0x3a: {  	_ = 	snop  }
0x3b: {  	_ = 	snop  }
0x3c: {  	p2 =	seq.s32 s10, $0x1;
	s10 =	sld [smem:$0x3FB4]  }
0x3d: {  	_ =	shalt  }
0x3e: {  	_ =	shalt  }
0x3f: {  	_ =	shalt  }
0x40: {  	_ =	shalt  }
0x41: {  	_ =	shalt  }
0x42: {  	_ =	shalt  }
0x43: {  	_ =	shalt  }
0x44: {  	_ =	shalt  }
0x45: {  	_ =	shalt  }
0x46: {  	_ =	shalt  }
0x47: {  	_ =	shalt  }
0x48: {  	_ =	shalt  }
0x49: {  	_ =	shalt  }
0x4a: {  	_ =	shalt  }
0x4b: {  	_ =	shalt  }
0x4c: {  	_ =	shalt  }
0x4d: {  	_ =	shalt  }
0x4e: {  	_ =	shalt  }
0x4f: {  	_ =	shalt  }
0x50: {  	_ =	shalt  }
0x51: {  	_ =	shalt  }
0x52: {  	_ =	shalt  }
0x53: {  	_ =	shalt  }
0x54: {  	_ =	shalt  }
0x55: {  	_ =	shalt  }
0x56: {  	_ =	shalt  }
0x57: {  	_ =	shalt  }
0x58: {  	_ =	shalt  }
0x59: {  	_ =	shalt  }
0x5a: {  	_ =	shalt  }
0x5b: {  	_ =	shalt  }
0x5c: {  	_ =	shalt  }
0x5d: {  	_ =	shalt  }
0x5e: {  	_ =	shalt  }
0x5f: {  	_ =	shalt  }
0x60: {  	_ =	shalt  }
0x61: {  	_ =	shalt  }
0x62: {  	_ =	shalt  }
0x63: {  	_ =	shalt  }
0x64: {  	_ =	shalt  }
0x65: {  	_ =	shalt  }
0x66: {  	_ =	shalt  }
0x67: {  	_ =	shalt  }
0x68: {  	_ =	shalt  }
0x69: {  	_ =	shalt  }
0x6a: {  	_ =	shalt  }
0x6b: {  	_ =	shalt  }
0x6c: {  	_ =	shalt  }
0x6d: {  	_ =	shalt  }
0x6e: {  	_ =	shalt  }
0x6f: {  	_ =	shalt  }
0x70: {  	_ =	shalt  }
0x71: {  	_ =	shalt  }
0x72: {  	_ =	shalt  }
0x73: {  	_ =	shalt  }
0x74: {  	_ =	shalt  }
0x75: {  	_ =	shalt  }
0x76: {  	_ =	shalt  }
0x77: {  	_ =	shalt  }
0x78: {  	_ =	shalt  }
0x79: {  	_ =	shalt  }
0x7a: {  	_ =	shalt  }
0x7b: {  	_ =	shalt  }
0x7c: {  	_ =	shalt  }
0x7d: {  	_ =	shalt  }
0x7e: {  	_ =	shalt  }
0x7f: {  	_ =	shalt  }
0x80: {  	_ =	shalt  }
0x81: {  	_ =	shalt  }
0x82: {  	_ =	shalt  }
0x83: {  	_ =	shalt  }
0x84: {  	_ =	shalt  }
0x85: {  	_ =	shalt  }
0x86: {  	_ =	shalt  }
0x87: {  	_ =	shalt  }
.Lfunc_end0:
.L_simem_size_0:
called_computation.1_lowered:
.L_overlay_start_0:
0x88: {  	s2 =	sld [smem:$0x3FD9]  }
0x89: {  	s3 =	sld [smem:$0x3FFE];
	_ =	sdelay $0x1  }
0x8a: {  	s1 =	srdreg.scid  }
0x8b: {  	s0 =	sand.u32 $0x1, s1  }
0x8c: {  	s17 =	sshll.u32 s0, $0xA;
	s2 =	sadd.s32 s3, s2  }
0x8d: {  	s2 =	sadd.s32 s2, s17  }
0x8e: {  	[smem:$0x3FC0] =	sst s2  }
0x8f: {  	_ = 	snop  }
0x90: {  	s2 =	sld [smem:$0x3FD0];
	(tm) =	ssettm $0x1  }
0x91: {  	s18 =	sld [smem:$0x3FFB];
	_ =	sdelay $0x3  }
0x92: {  	_ =	strace s18  }
0x93: {  	s3 =	sld [smem:$0x3FFC];
	_ =	sdelay $0x3  }
0x94: {  	_ =	strace s3  }
0x95: {  	s3 =	sld [smem:$0x3FFD];
	_ =	sdelay $0x3  }
0x96: {  	_ =	strace s3  }
0x97: {  	_ =	strace $0x8FFFFFFF  }
0x98: {  	s19 =	sld [smem:$0x3FDB];
	_ =	sdelay $0x1  }
0x99: {  	s4 =	simm.s32 $_scs_section_size  }
0x9a: {  	s5 =	simm.s32 $_size__tile_overlayer_lowered;
	s6 =	simm.s32 $_tile_overlayer_lowered  }
0x9b: {  	s22 =	simm.s32 $0x1BFF;
	s21 =	sshll.u32 s6, $0x1;
	s3 =	sadd.s32 s4, s19  }
0x9c: {  	s7 =	simm.s32 $0x0;
	s20 =	sshll.u32 s5, $0x1;
	s5 =	sadd.s32 s21, s3  }
0x9d: {  	[timem:s7], [sflag:s22] =	dma.local [hbm:s5], s20  }
0x9e: {  	_ =	swait.ge [sflag:s22], s20  }
0x9f: {  	s4 =	ssub.s32 $0x0, s20;
	[sflag:s22] =	ssyncset.done $0x0  }
0xa0: {  	[sflag:s22] =	ssyncadd.s32 s4;
	_ =	sdelay $0x1  }
0xa1: {  	s23 =	simm.s32 $0x1B8B  }
0xa2: {  	_ =	swait.ge [sflag:s23], $0x1  }
0xa3: {  	[sflag:s23] =	ssyncset.done $0x0  }
0xa4: {  	s25 =	simm.s32 $0x1B8E;
	s24 =	sld [smem:$0x3FFE];
	[sflag:s23] =	ssyncadd.s32 $0xFFFFFFFF  }
0xa5: {  	s26 =	simm.s32 $execute0_lowered;
	[smem:$0x3FD2] =	sst s25  }
0xa6: {  	s5 =	sshll.u32 s26, $0x1;
	_ =	strace $0x80000046;
	[dreg:$0x1] =	wrdreg $0xFFFFFFFF  }
0xa7: {  	s28 =	simm.s32 $_size_execute0_lowered;
	s3 =	sadd.s32 s3, s5;
	[dreg:$0x0] =	wrdreg $0x0  }
0xa8: {  	s5 =	sshll.u32 s28, $0x1;
	[dreg:$0x2] =	wrdreg s3  }
0xa9: {  	[dreg:$0x3] =	wrdreg s5  }
0xaa: {  	[dreg:$0x4] =	wrdreg $0xC0  }
0xab: {  	_ =	task [dreg:s7], $0x5FFFF  }
0xac: {  	[dreg:$0x1] =	wrdreg $0xFFFFFFFF  }
0xad: {  	[dreg:$0x0] =	wrdreg $0x60  }
0xae: {  	[dreg:$0x2] =	wrdreg s24  }
0xaf: {  	[dreg:$0x3] =	wrdreg s2  }
0xb0: {  	[dreg:$0x4] =	wrdreg $0x57800  }
0xb1: {  	[dreg:$0x5] =	wrdreg $0xA  }
0xb2: {  	_ =	task.clear_ibuf [dreg:s7], $0x6FFFF;
	_ =	strace $0x90000046  }
0xb3: {  	s29 =	simm.s32 $0xA;
	_ =	strace $0x80000048  }
0xb4: {  	_ =	swait.ge [sflag:s29], $0x1  }
0xb5: {  	[sflag:s29] =	ssyncadd.s32 $0xFFFFFFFF  }
0xb6: {  	_ =	strace $0x90000048  }
0xb7: {  	_ =	sfence  }
0xb8: {  	s30 =	sld [smem:$0x0];
	_ =	sdelay $0x2  }
0xb9: {  	s31 =	sshll.u32 s1, $0xD;
	s1 =	sshrl.u32 s1, $0x2  }
0xba: {  	s3 =	sand.u32 $0x4000, s31;
	s1 =	sadd.s32 s1, s30  }
0xbb: {  	s0 =	sor.u32 s3, s0;
	s1 =	sshll.u32 s1, $0x11  }
0xbc: {  	s0 =	sor.u32 s1, s0  }
0xbd: {  	s0 =	sadd.s32 $0x8F2B, s0  }
0xbe: {  	[sflag:s0] =	ssyncadd.remote.s32 $0x1  }
0xbf: {  	_ =	sfence.sel $0xFFFF  }
0xc0: {  	[dreg:$0x0] =	wrdreg $0xFFFFFFFF;
	(pc) =	sbr.abs _section_cstart, $3  }
0xc1: {  	[dreg:$0x1] =	wrdreg $0xFFFFFFFF  }
0xc2: {  	_ =	task.clear_ibuf [dreg:s7], $0x2FFFF;
	_ =	strace $0x9FFFFFFF  }
0xc3: {  	(tm) =	ssettm $0x7FFFFFFF  }
tec
execute0_lowered:
.L_overlay_start_1:
0x0: {  	(tag) =	ssettag $0x1  }
0x1: {  	s6 =	rddreg [dreg:$0x0]  }
0x2: {  	s2 =	rddreg [dreg:$0x1]  }
0x3: {  	s0 =	srdreg.scid;
	s3 =	rddreg [dreg:$0x2];
	s4 =	simm.s32 $0x0  }
0x4: {  	s13 =	simm.s32 $0x60;
	s5 =	sand.u32 $0x1, s0;
	s0 =	stileid.u32  }
0x5: {  	s14 =	simm.s32 $0x0;
	[smem:$0x7FF] =	sst s4;
	s8 =	smul.u32 $0x13C00, s0  }
0x6: {  	s1 =	sshll.u32 s5, $0x4;
	s9 =	smul.u32 $0x13C000, s5;
	s5 =	ssub.s32 $0x2, s5  }
0x7: {  	s29 =	smul.u32 $0x4F000, s0;
	s31 =	sshll.u32 s0, $0x6;
	s1 =	sor.u32 s0, s1  }
0x8: {  	s11 =	sshrl.u32 s5, $0x1;
	s7 =	smul.u32 $0x4EC, s1;
	s1 =	rddreg [dreg:$0x3]  }
0x9: {  	_ =	strace $0x80000047;
	s10 =	sshrl.u32 s8, $0x3;
	s8 =	sadd.s32 s8, s9  }
0xa: {  	s11 =	ssub.s32 s5, s11;
	s30 =	sshrl.u32 s29, $0x2;
	s10 =	sadd.s32 s10, s6  }
0xb: {  	s8 =	sshrl.u32 s8, $0x3;
	s12 =	sadd.s32 s30, s3;
	s9 =	smax.u32 s11, $0x1  }
0xc: {  	s11 =	simm.s32 $0x1;
	s7 =	sadd.s32 s7, s6;
	s8 =	sadd.s32 s8, s6  }
0xd: {  	s5 =	sadd.s32 $0x15C00, s10;
	s6 =	sor.u32 $0x1C01, s31;
	s10 =	sshrl.u32 s12, $0x3  }
0xe: {  	s12 =	simm.s32 $0x2780;
	s7 =	sadd.s32 $0xBE00, s7;
	s8 =	sadd.s32 $0x3D400, s8  }
.LBB2_1:
0xf: {  	[spmem:s10], [sflag:s6] =	dma.local [hbm:s5], $0x2780  }
0x10: {  	_ =	swait.ge [sflag:s11], $0x2780  }
0x11: {  	[sflag:s11] =	ssyncset.done $0x0  }
0x12: {  	[sflag:s11] =	ssyncadd.s32 $0xFFFFD880  }
0x13: {  	[tilespmem:s4], [sflag:$0x1] =	stream.linear.gather [hbm4b:s7+s4], $0x2760, $0x38;
	[tilespmem:$0x19380] =	vst v63  }
0x14: {  	_ =	swait.ge [sflag:s11], $0x2760  }
0x15: {  	[sflag:s11] =	ssyncset.done $0x0  }
0x16: {  	[sflag:s11] =	ssyncadd.s32 $0xFFFFD8A0  }
0x17: {  	[tilespmem:s12], [sflag:$0x1] =	stream.linear.gather [hbm4b:s2+s4], $0x3000, $0x38;
	[tilespmem:$0x19380] =	vst v63  }
0x18: {  	_ =	swait.ge [sflag:s11], $0x3000  }
0x19: {  	[sflag:s11] =	ssyncset.done $0x0  }
0x1a: {  	[sflag:s11] =	ssyncadd.s32 $0xFFFFD000  }
0x1b: {  	s15 =	simm.s32 $0x0;
	[bflag:$0x0] =	sbarrier.arrive $0xFFFF  }
0x1c: {  	[spmem:s3] =	stream.indirect.scatter.add.f32 [tilespmem:s12], [sflag:$0x1], $0x80, s15, s13, $0xb8;
	[tilespmem:$0x19380] =	vst v63  }
0x1d: {  	_ =	swait.ge [sflag:s11], $0x3000  }
0x1e: {  	s15 =	simm.s32 $0x180;
	[sflag:s11] =	ssyncset.done $0x0  }
.LBB2_2:
0x1f: {  	s16 =	sshra.s32 s15, $0x2;
	[sflag:s11] =	ssyncadd.s32 $0xFFFFD000;
	p0 =	sne.s32 s15, $0x9C00  }
0x20: {  	[spmem:s3] =	stream.indirect.scatter.add.f32 [tilespmem:s12], [sflag:$0x1], $0x80, s16, s13, $0xb8;
	[tilespmem:$0x19380] =	vst v63  }
.Ltmp0:
0x21: {  	_ = 	snop;
	(pc) =	sbr.rel @p0 .LBB2_2-.Ltmp0, $4  }
0x22: {  	_ = 	snop  }
0x23: {  	s15 =	sadd.s32 $0x180, s15  }
0x24: {  	_ =	swait.ge [sflag:s11], $0x3000  }
0x25: {  	[sflag:s11] =	ssyncset.done $0x0  }
0x26: {  	s14 =	sadd.s32 $0x1, s14  }
0x27: {  	[sflag:s11] =	ssyncadd.s32 $0xFFFFD000;
	p0 =	sne.s32 s14, s9  }
.Ltmp1:
0x28: {  	[bflag:$0x0] =	sbarrier.arrive $0xFFFF;
	(pc) =	sbr.rel @p0 .LBB2_1-.Ltmp1, $4  }
0x29: {  	[hbm:s8], [sflag:s6] =	dma.local [spmem:s10], $0x2780  }
0x2a: {  	_ =	swait.ge [sflag:s11], $0x2780  }
0x2b: {  	[sflag:s11] =	ssyncset.done $0x0  }
0x2c: {  	[sflag:s11] =	ssyncadd.s32 $0xFFFFD880  }
0x2d: {  	_ =	sfence.sel $0x180000  }
0x2e: {  	[bflag:$0x0] =	sbarrier.arrive $0xFFFF  }
0x2f: {  	p0 =	sne.s32 s0, $0x0;
	_ =	strace $0x90000047  }
0x30: {  	s0 =	sadd.s32 @!p0 $0x100000, s1;
	[bflag:$0x2] =	sbarrier.arrive $0xFFFF  }
0x31: {  	[sflag:s0] =	ssyncadd.tile.s32 @!p0 $0x1;
	_ =	shalt  }
.Lfunc_end2:
_tile_overlayer_lowered:
.L_overlay_start_2:
0x32: {  	(tag) =	ssettag $0x2  }
0x33: {  	s0 =	rddreg [dreg:$0x0];
	s2 =	stileid.u32  }
0x34: {  	s1 =	rddreg [dreg:$0x1];
	p0 =	sne.s32 s2, $0x0  }
0x35: {  	s3 =	rddreg [dreg:$0x2];
	[bflag:$0x3] =	sbarrier.arrive $0xFFFF;
	s2 =	simm.s32 @!p0 $0x1C01  }
0x36: {  	[timem:s3], [sflag:s2] =	dma.local @!p0 [hbm:s0], s1  }
0x37: {  	s0 =	simm.s32 @!p0 $0x1  }
0x38: {  	_ =	swait.ge @!p0 [sflag:s0], s1  }
0x39: {  	s1 =	ssub.s32 @!p0 $0x0, s1;
	[sflag:s0] =	ssyncset.done @!p0 $0x0  }
0x3a: {  	[sflag:s0] =	ssyncadd.s32 @!p0 s1  }
0x3b: {  	[bflag:$0x3] =	sbarrier.arrive $0xFFFF  }
0x3c: {  	_ =	shalt  }

// kernel: kernel.13.cloned.1.call-start
scs
__scs_entry_jumppad:
0x0: {  	(pc) =	sbr.rel $0x88, $3  }
0x1: {  	(tag) =	ssettag $0x0;
	lr =	simm.s32 $0x1  }
0x2: {  	[smem:$0x3F99] =	sst lr;
	_ =	strace $0xD0000000  }
0x3: {  	_ = 	snop  }
0x4: {  	_ = 	snop  }
0x5: {  	_ = 	snop  }
0x6: {  	_ = 	snop  }
0x7: {  	_ = 	snop  }
__scs_overlays_trampoline_lowered:
0x8: {  	[smem:$0x3FA8] =	sst s0  }
0x9: {  	[smem:$0x3FA9] =	sst s1  }
0xa: {  	[smem:$0x3FAA] =	sst s2  }
0xb: {  	[smem:$0x3FAB] =	sst s3  }
0xc: {  	[smem:$0x3FAC] =	sst s4  }
0xd: {  	[smem:$0x3FAD] =	sst s5  }
0xe: {  	[smem:$0x3FAE] =	sst s6  }
0xf: {  	[smem:$0x3FAF] =	sst s7  }
0x10: {  	[smem:$0x3FB0] =	sst s8  }
0x11: {  	[smem:$0x3FB1] =	sst s9;
	s0 =	simm.s32 @!p0 $0x0  }
0x12: {  	s1 =	sld [smem:$0x3F97];
	s0 =	simm.s32 @p0 $0x1  }
0x13: {  	[smem:$0x3FB2] =	sst s0;
	s0 =	simm.s32 @!p1 $0x0  }
0x14: {  	s2 =	sld [smem:$0x3F96];
	s0 =	simm.s32 @p1 $0x1  }
0x15: {  	[smem:$0x3FB3] =	sst s0;
	s0 =	simm.s32 @!p2 $0x0  }
0x16: {  	s3 =	sld [smem:$0x3FDB];
	s0 =	simm.s32 @p2 $0x1  }
0x17: {  	s4 =	simm.s32 $0x1BF5;
	[smem:$0x3FB5] =	sst s0  }
0x18: {  	s0 =	sld [smem:$0x3F98];
	_ =	swait.ge [sflag:s4], $0x0  }
0x19: {  	s7 =	sld [smem:$0x3F99]  }
0x1a: {  	s8 =	sadd.s32 $0xFFFFE003, lr  }
0x1b: {  	s9 =	sadd.s32 $0xFFFFFEF7, lr;
	s5 =	simm.s32 $0xFFFFFFFF;
	p2 =	slt.u32 s8, $0xFFFFF086  }
0x1c: {  	p1 =	slt.u32 s9, $0xF7A;
	s5 =	simm.s32 @!p2 $0x0  }
0x1d: {  	s5 =	simm.s32 @p1 $0x1;
	p0 =	seq.s32 s7, s2  }
0x1e: {  	s7 =	smul.u32 @!p0 $0xF7A, s2;
	p2 =	seq.s32 @!p0 s5, $0x0  }
0x1f: {  	s9 =	smul.u32 $0xF7A, s1;
	s8 =	simm.s32 @!p0 $0x1BF5;
	p2 =	por !p2, p0  }
0x20: {  	[sflag:s8] =	ssyncset.s32 @!p0 $0xFFFFF086;
	s6 =	sadd.s32 @!p0 s3, s7;
	s7 =	simm.s32 @!p0 $0x108  }
0x21: {  	s3 =	sadd.s32 s3, s9;
	s6 =	sadd.s32 @!p0 $0x88, s6;
	s7 =	simm.s32 @p2 $0x1082  }
0x22: {  	[simem:s7], [sflag:s8] =	dma.local @!p0 [hbm:s6], $0xF7A  }
0x23: {  	s9 =	sor.u32 $0xD0000000, s2;
	s6 =	simm.s32 $0x108;
	_ =	swait.ge @!p0 [sflag:s8], $0x0  }
0x24: {  	s3 =	sadd.s32 $0x88, s3;
	s6 =	simm.s32 @!p1 $0x1082;
	[sflag:s4] =	ssyncset.s32 $0xFFFFF086  }
0x25: {  	[simem:s6], [sflag:s4] =	dma.local [hbm:s3], $0xF7A  }
0x26: {  	[smem:$0x3F99] =	sst s1;
	(tag) =	ssettag s2;
	_ =	strace s9  }
0x27: {  	s1 =	sld [smem:$0x3FA9]  }
0x28: {  	s2 =	sld [smem:$0x3FAA]  }
0x29: {  	s4 =	sld [smem:$0x3FAC]  }
0x2a: {  	p0 =	seq.s32 s5, $0x0;
	s5 =	sld [smem:$0x3FAD]  }
0x2b: {  	s6 =	sld [smem:$0x3FAE]  }
0x2c: {  	s7 =	sld [smem:$0x3FAF]  }
0x2d: {  	s3 =	simm.s32 $0x108;
	s8 =	sld [smem:$0x3FB0]  }
0x2e: {  	s3 =	simm.s32 @!p0 $0x1082;
	s9 =	sld [smem:$0x3FB1]  }
0x2f: {  	lr =	sadd.s32 s0, s3;
	s0 =	sld [smem:$0x3FA8]  }
0x30: {  	s3 =	sld [smem:$0x3FAB]  }
0x31: {  	[smem:$0x3FB4] =	sst s10  }
0x32: {  	s10 =	sld [smem:$0x3FB2];
	_ =	sdelay $0x3  }
0x33: {  	p0 =	seq.s32 s10, $0x1;
	s10 =	sld [smem:$0x3FB4];
	_ =	sdelay $0x3  }
0x34: {  	[smem:$0x3FB4] =	sst s10  }
0x35: {  	s10 =	sld [smem:$0x3FB3];
	_ =	sdelay $0x3  }
0x36: {  	p1 =	seq.s32 s10, $0x1;
	s10 =	sld [smem:$0x3FB4];
	_ =	sdelay $0x3  }
0x37: {  	[smem:$0x3FB4] =	sst s10  }
0x38: {  	s10 =	sld [smem:$0x3FB5]  }
0x39: {  	_ = 	snop;
	(pc) =	sbr.ind lr, $3  }
0x3a: {  	_ = 	snop  }
0x3b: {  	_ = 	snop  }
0x3c: {  	p2 =	seq.s32 s10, $0x1;
	s10 =	sld [smem:$0x3FB4]  }
0x3d: {  	_ =	shalt  }
0x3e: {  	_ =	shalt  }
0x3f: {  	_ =	shalt  }
0x40: {  	_ =	shalt  }
0x41: {  	_ =	shalt  }
0x42: {  	_ =	shalt  }
0x43: {  	_ =	shalt  }
0x44: {  	_ =	shalt  }
0x45: {  	_ =	shalt  }
0x46: {  	_ =	shalt  }
0x47: {  	_ =	shalt  }
0x48: {  	_ =	shalt  }
0x49: {  	_ =	shalt  }
0x4a: {  	_ =	shalt  }
0x4b: {  	_ =	shalt  }
0x4c: {  	_ =	shalt  }
0x4d: {  	_ =	shalt  }
0x4e: {  	_ =	shalt  }
0x4f: {  	_ =	shalt  }
0x50: {  	_ =	shalt  }
0x51: {  	_ =	shalt  }
0x52: {  	_ =	shalt  }
0x53: {  	_ =	shalt  }
0x54: {  	_ =	shalt  }
0x55: {  	_ =	shalt  }
0x56: {  	_ =	shalt  }
0x57: {  	_ =	shalt  }
0x58: {  	_ =	shalt  }
0x59: {  	_ =	shalt  }
0x5a: {  	_ =	shalt  }
0x5b: {  	_ =	shalt  }
0x5c: {  	_ =	shalt  }
0x5d: {  	_ =	shalt  }
0x5e: {  	_ =	shalt  }
0x5f: {  	_ =	shalt  }
0x60: {  	_ =	shalt  }
0x61: {  	_ =	shalt  }
0x62: {  	_ =	shalt  }
0x63: {  	_ =	shalt  }
0x64: {  	_ =	shalt  }
0x65: {  	_ =	shalt  }
0x66: {  	_ =	shalt  }
0x67: {  	_ =	shalt  }
0x68: {  	_ =	shalt  }
0x69: {  	_ =	shalt  }
0x6a: {  	_ =	shalt  }
0x6b: {  	_ =	shalt  }
0x6c: {  	_ =	shalt  }
0x6d: {  	_ =	shalt  }
0x6e: {  	_ =	shalt  }
0x6f: {  	_ =	shalt  }
0x70: {  	_ =	shalt  }
0x71: {  	_ =	shalt  }
0x72: {  	_ =	shalt  }
0x73: {  	_ =	shalt  }
0x74: {  	_ =	shalt  }
0x75: {  	_ =	shalt  }
0x76: {  	_ =	shalt  }
0x77: {  	_ =	shalt  }
0x78: {  	_ =	shalt  }
0x79: {  	_ =	shalt  }
0x7a: {  	_ =	shalt  }
0x7b: {  	_ =	shalt  }
0x7c: {  	_ =	shalt  }
0x7d: {  	_ =	shalt  }
0x7e: {  	_ =	shalt  }
0x7f: {  	_ =	shalt  }
0x80: {  	_ =	shalt  }
0x81: {  	_ =	shalt  }
0x82: {  	_ =	shalt  }
0x83: {  	_ =	shalt  }
0x84: {  	_ =	shalt  }
0x85: {  	_ =	shalt  }
0x86: {  	_ =	shalt  }
0x87: {  	_ =	shalt  }
.Lfunc_end0:
.L_simem_size_0:
called_computation.2_lowered:
.L_overlay_start_0:
0x88: {  	s2 =	sld [smem:$0x3FD9]  }
0x89: {  	s3 =	sld [smem:$0x3FFE];
	_ =	sdelay $0x1  }
0x8a: {  	s1 =	srdreg.scid  }
0x8b: {  	s0 =	sand.u32 $0x1, s1  }
0x8c: {  	s17 =	sshll.u32 s0, $0xA;
	s2 =	sadd.s32 s3, s2  }
0x8d: {  	s2 =	sadd.s32 s2, s17  }
0x8e: {  	[smem:$0x3FC0] =	sst s2  }
0x8f: {  	_ = 	snop  }
0x90: {  	s2 =	sld [smem:$0x3FD0];
	(tm) =	ssettm $0x1  }
0x91: {  	s18 =	sld [smem:$0x3FFB];
	_ =	sdelay $0x3  }
0x92: {  	_ =	strace s18  }
0x93: {  	s3 =	sld [smem:$0x3FFC];
	_ =	sdelay $0x3  }
0x94: {  	_ =	strace s3  }
0x95: {  	s3 =	sld [smem:$0x3FFD];
	_ =	sdelay $0x3  }
0x96: {  	_ =	strace s3  }
0x97: {  	_ =	strace $0x8FFFFFFF  }
0x98: {  	s19 =	sld [smem:$0x3FDB];
	_ =	sdelay $0x1  }
0x99: {  	s4 =	simm.s32 $_scs_section_size  }
0x9a: {  	s5 =	simm.s32 $_size__tile_overlayer_lowered;
	s6 =	simm.s32 $_tile_overlayer_lowered  }
0x9b: {  	s22 =	simm.s32 $0x1BFF;
	s21 =	sshll.u32 s6, $0x1;
	s3 =	sadd.s32 s4, s19  }
0x9c: {  	s7 =	simm.s32 $0x0;
	s20 =	sshll.u32 s5, $0x1;
	s5 =	sadd.s32 s21, s3  }
0x9d: {  	[timem:s7], [sflag:s22] =	dma.local [hbm:s5], s20  }
0x9e: {  	_ =	swait.ge [sflag:s22], s20  }
0x9f: {  	s4 =	ssub.s32 $0x0, s20;
	[sflag:s22] =	ssyncset.done $0x0  }
0xa0: {  	[sflag:s22] =	ssyncadd.s32 s4;
	_ =	sdelay $0x1  }
0xa1: {  	s23 =	simm.s32 $0x1B8B  }
0xa2: {  	_ =	swait.ge [sflag:s23], $0x1  }
0xa3: {  	[sflag:s23] =	ssyncset.done $0x0  }
0xa4: {  	s25 =	simm.s32 $0x1B8E;
	s24 =	sld [smem:$0x3FFE];
	[sflag:s23] =	ssyncadd.s32 $0xFFFFFFFF  }
0xa5: {  	s26 =	simm.s32 $execute0_lowered;
	[smem:$0x3FD2] =	sst s25  }
0xa6: {  	s5 =	sshll.u32 s26, $0x1;
	_ =	strace $0x8000004C;
	[dreg:$0x1] =	wrdreg $0xFFFFFFFF  }
0xa7: {  	s28 =	simm.s32 $_size_execute0_lowered;
	s3 =	sadd.s32 s3, s5;
	[dreg:$0x0] =	wrdreg $0x0  }
0xa8: {  	s5 =	sshll.u32 s28, $0x1;
	[dreg:$0x2] =	wrdreg s3  }
0xa9: {  	[dreg:$0x3] =	wrdreg s5  }
0xaa: {  	[dreg:$0x4] =	wrdreg $0xC0  }
0xab: {  	_ =	task [dreg:s7], $0x5FFFF  }
0xac: {  	[dreg:$0x1] =	wrdreg $0xFFFFFFFF  }
0xad: {  	[dreg:$0x0] =	wrdreg $0x60  }
0xae: {  	[dreg:$0x2] =	wrdreg s2  }
0xaf: {  	[dreg:$0x3] =	wrdreg s24  }
0xb0: {  	[dreg:$0x4] =	wrdreg $0xAF000  }
0xb1: {  	[dreg:$0x5] =	wrdreg $0x9  }
0xb2: {  	_ =	task.clear_ibuf [dreg:s7], $0x6FFFF;
	_ =	strace $0x9000004C  }
0xb3: {  	s29 =	simm.s32 $0x9;
	_ =	strace $0x8000004E  }
0xb4: {  	_ =	swait.ge [sflag:s29], $0x1  }
0xb5: {  	[sflag:s29] =	ssyncadd.s32 $0xFFFFFFFF  }
0xb6: {  	_ =	strace $0x9000004E  }
0xb7: {  	_ =	sfence  }
0xb8: {  	s30 =	sld [smem:$0x0];
	_ =	sdelay $0x2  }
0xb9: {  	s31 =	sshll.u32 s1, $0xD;
	s1 =	sshrl.u32 s1, $0x2  }
0xba: {  	s3 =	sand.u32 $0x4000, s31;
	s1 =	sadd.s32 s1, s30  }
0xbb: {  	s0 =	sor.u32 s3, s0;
	s1 =	sshll.u32 s1, $0x11  }
0xbc: {  	s0 =	sor.u32 s1, s0  }
0xbd: {  	s0 =	sadd.s32 $0x8F2B, s0  }
0xbe: {  	[sflag:s0] =	ssyncadd.remote.s32 $0x1  }
0xbf: {  	_ =	sfence.sel $0xFFFF  }
0xc0: {  	[dreg:$0x0] =	wrdreg $0xFFFFFFFF;
	(pc) =	sbr.abs _section_cstart, $3  }
0xc1: {  	[dreg:$0x1] =	wrdreg $0xFFFFFFFF  }
0xc2: {  	_ =	task.clear_ibuf [dreg:s7], $0x2FFFF;
	_ =	strace $0x9FFFFFFF  }
0xc3: {  	(tm) =	ssettm $0x7FFFFFFF  }
tec
execute0_lowered:
.L_overlay_start_1:
0x0: {  	(tag) =	ssettag $0x1  }
0x1: {  	s1 =	rddreg [dreg:$0x0]  }
0x2: {  	s6 =	rddreg [dreg:$0x1]  }
0x3: {  	s0 =	srdreg.scid;
	s3 =	rddreg [dreg:$0x2];
	s4 =	simm.s32 $0x0  }
0x4: {  	s14 =	simm.s32 $0x60;
	s15 =	simm.s32 $0x4F00;
	s16 =	simm.s32 $0x7F00  }
0x5: {  	s17 =	simm.s32 $0x1;
	s5 =	sand.u32 $0x1, s0;
	s0 =	stileid.u32  }
0x6: {  	s18 =	simm.s32 $0x2;
	s19 =	simm.s32 $0x4E80;
	s8 =	smul.u32 $0x13C00, s0  }
0x7: {  	s20 =	simm.s32 $0x0;
	[smem:$0x7FF] =	sst s4;
	s9 =	smul.u32 $0x13C000, s5  }
0x8: {  	s2 =	sshll.u32 s5, $0x4;
	s5 =	ssub.s32 $0x2, s5;
	s29 =	smul.u32 $0x4F000, s0  }
0x9: {  	s31 =	sshll.u32 s0, $0x6;
	s2 =	sor.u32 s0, s2;
	s11 =	sshrl.u32 s5, $0x1  }
0xa: {  	s7 =	smul.u32 $0x4EC, s2;
	s2 =	rddreg [dreg:$0x3];
	_ =	strace $0x8000004D  }
0xb: {  	s28 =	sshrl.u32 s8, $0x3;
	s8 =	sadd.s32 s8, s9;
	s30 =	sshrl.u32 s29, $0x2  }
0xc: {  	s11 =	ssub.s32 s5, s11;
	s8 =	sshrl.u32 s8, $0x3;
	s13 =	sadd.s32 s30, s3  }
0xd: {  	s10 =	sadd.s32 s7, s6;
	s7 =	sadd.s32 s28, s6;
	s12 =	sadd.s32 s8, s6  }
0xe: {  	s6 =	sor.u32 $0x1C03, s31;
	s5 =	sadd.s32 $0x15C00, s7;
	s7 =	sadd.s32 $0x2000, s10  }
0xf: {  	s8 =	sadd.s32 $0xBE00, s10;
	s9 =	sadd.s32 $0x3D400, s12;
	s10 =	smax.u32 s11, $0x1  }
0x10: {  	s11 =	sshrl.u32 s13, $0x3;
	s12 =	simm.s32 $0x3;
	s13 =	simm.s32 $0x2780  }
.LBB2_1:
0x11: {  	[spmem:s11], [sflag:s6] =	dma.local [hbm:s5], $0x2780  }
0x12: {  	_ =	swait.ge [sflag:s12], $0x2780  }
0x13: {  	[sflag:s12] =	ssyncset.done $0x0  }
0x14: {  	[sflag:s12] =	ssyncadd.s32 $0xFFFFD880  }
0x15: {  	[tilespmem:s4], [sflag:$0x3] =	stream.linear.gather [hbm4b:s7+s4], $0x2760, $0x38;
	[tilespmem:$0x1EB00] =	vst v63  }
0x16: {  	_ =	swait.ge [sflag:s12], $0x2760  }
0x17: {  	[sflag:s12] =	ssyncset.done $0x0  }
0x18: {  	[sflag:s12] =	ssyncadd.s32 $0xFFFFD8A0  }
0x19: {  	[tilespmem:s13], [sflag:$0x3] =	stream.linear.gather [hbm4b:s8+s4], $0x2760, $0x38;
	[tilespmem:$0x1EB00] =	vst v63  }
0x1a: {  	_ =	swait.ge [sflag:s12], $0x2760  }
0x1b: {  	[sflag:s12] =	ssyncset.done $0x0  }
0x1c: {  	[sflag:s12] =	ssyncadd.s32 $0xFFFFD8A0  }
0x1d: {  	[bflag:$0x0] =	sbarrier.arrive $0xFFFF  }
0x1e: {  	[tilespmem:s15], [sflag:$0x1] =	stream.indirect.gather [hbm4b:s1+s14], $0x80, s4, s14, $0xb8;
	[tilespmem:$0x1EB00] =	vst v63  }
0x1f: {  	s21 =	simm.s32 $0x60  }
0x20: {  	[tilespmem:s16], [sflag:$0x2] =	stream.indirect.gather [hbm4b:s1+s14], $0x80, s21, s14, $0xb8;
	[tilespmem:$0x1EB00] =	vst v63  }
0x21: {  	_ =	swait.ge [sflag:s17], $0x3000  }
0x22: {  	[sflag:s17] =	ssyncset.done $0x0  }
0x23: {  	s29 =	simm.s32 $0x2780;
	[sflag:s17] =	ssyncadd.s32 $0xFFFFD000  }
0x24: {  	[spmem:s3] =	stream.indirect.scatter.add.f32 [tilespmem:s15], [sflag:$0x3], $0x80, s29, s14, $0xb8;
	[tilespmem:$0x1EB00] =	vst v63  }
0x25: {  	_ =	swait.ge [sflag:s12], $0x3000  }
0x26: {  	[sflag:s12] =	ssyncset.done $0x0  }
0x27: {  	s30 =	simm.s32 $0xC0;
	[sflag:s12] =	ssyncadd.s32 $0xFFFFD000  }
0x28: {  	[tilespmem:s15], [sflag:$0x1] =	stream.indirect.gather [hbm4b:s1+s14], $0x80, s30, s14, $0xb8;
	[tilespmem:$0x1EB00] =	vst v63  }
0x29: {  	_ =	swait.ge [sflag:s18], $0x3000  }
0x2a: {  	[sflag:s18] =	ssyncset.done $0x0  }
0x2b: {  	s31 =	simm.s32 $0x27E0;
	[sflag:s18] =	ssyncadd.s32 $0xFFFFD000  }
0x2c: {  	[spmem:s3] =	stream.indirect.scatter.add.f32 [tilespmem:s16], [sflag:$0x3], $0x80, s31, s14, $0xb8;
	[tilespmem:$0x1EB00] =	vst v63  }
0x2d: {  	_ =	swait.ge [sflag:s12], $0x3000  }
0x2e: {  	s22 =	simm.s32 $0x600;
	s21 =	simm.s32 $0xC0;
	[sflag:s12] =	ssyncset.done $0x0  }
.LBB2_2:
0x2f: {  	s23 =	sadd.s32 $0x60, s21  }
0x30: {  	[sflag:s12] =	ssyncadd.s32 $0xFFFFD000;
	s24 =	smov.u32 s22;
	s25 =	sadd.s32 $0x300, s22  }
0x31: {  	[tilespmem:s16], [sflag:$0x2] =	stream.indirect.gather [hbm4b:s1+s14], $0x80, s23, s14, $0xb8;
	[tilespmem:$0x1EB00] =	vst v63  }
0x32: {  	p0 =	sne.s32 s22, $0x9900;
	_ =	swait.ge [sflag:s17], $0x3000  }
0x33: {  	[sflag:s17] =	ssyncset.done $0x0  }
0x34: {  	s22 =	sadd.s32 $0x2780, s21;
	[sflag:s17] =	ssyncadd.s32 $0xFFFFD000  }
0x35: {  	[spmem:s3] =	stream.indirect.scatter.add.f32 [tilespmem:s15], [sflag:$0x3], $0x80, s22, s14, $0xb8;
	[tilespmem:$0x1EB00] =	vst v63  }
0x36: {  	_ =	swait.ge [sflag:s12], $0x3000  }
0x37: {  	[sflag:s12] =	ssyncset.done $0x0  }
0x38: {  	s22 =	sadd.s32 $0xC0, s21;
	[sflag:s12] =	ssyncadd.s32 $0xFFFFD000  }
0x39: {  	[tilespmem:s15], [sflag:$0x1] =	stream.indirect.gather [hbm4b:s1+s14], $0x80, s22, s14, $0xb8;
	[tilespmem:$0x1EB00] =	vst v63  }
0x3a: {  	_ =	swait.ge [sflag:s18], $0x3000  }
.Ltmp0:
0x3b: {  	[sflag:s18] =	ssyncset.done $0x0;
	(pc) =	sbr.rel @p0 .LBB2_2-.Ltmp0, $4  }
0x3c: {  	s21 =	sadd.s32 $0x27E0, s21;
	[sflag:s18] =	ssyncadd.s32 $0xFFFFD000  }
0x3d: {  	[spmem:s3] =	stream.indirect.scatter.add.f32 [tilespmem:s16], [sflag:$0x3], $0x80, s21, s14, $0xb8;
	[tilespmem:$0x1EB00] =	vst v63  }
0x3e: {  	_ =	swait.ge [sflag:s12], $0x3000  }
0x3f: {  	s22 =	smov.u32 s25;
	s21 =	sshra.s32 s24, $0x2;
	[sflag:s12] =	ssyncset.done $0x0  }
0x40: {  	s22 =	sadd.s32 $0x60, s21;
	[sflag:s12] =	ssyncadd.s32 $0xFFFFD000  }
0x41: {  	[tilespmem:s16], [sflag:$0x2] =	stream.indirect.gather [hbm4b:s1+s14], $0x80, s22, s14, $0xb8;
	[tilespmem:$0x1EB00] =	vst v63  }
0x42: {  	_ =	swait.ge [sflag:s17], $0x3000  }
0x43: {  	[sflag:s17] =	ssyncset.done $0x0  }
0x44: {  	s29 =	sadd.s32 $0x2780, s21;
	[sflag:s17] =	ssyncadd.s32 $0xFFFFD000  }
0x45: {  	[spmem:s3] =	stream.indirect.scatter.add.f32 [tilespmem:s15], [sflag:$0x3], $0x80, s29, s14, $0xb8;
	[tilespmem:$0x1EB00] =	vst v63  }
0x46: {  	_ =	swait.ge [sflag:s12], $0x3000  }
0x47: {  	[sflag:s12] =	ssyncset.done $0x0  }
0x48: {  	s30 =	sadd.s32 $0xC0, s21;
	[sflag:s12] =	ssyncadd.s32 $0xFFFFD000  }
0x49: {  	[tilespmem:s15], [sflag:$0x1] =	stream.indirect.gather [hbm4b:s1+s14], $0x80, s30, s14, $0xb8;
	[tilespmem:$0x1EB00] =	vst v63  }
0x4a: {  	_ =	swait.ge [sflag:s18], $0x3000  }
0x4b: {  	[sflag:s18] =	ssyncset.done $0x0  }
0x4c: {  	s31 =	sadd.s32 $0x27E0, s21;
	[sflag:s18] =	ssyncadd.s32 $0xFFFFD000  }
0x4d: {  	[spmem:s3] =	stream.indirect.scatter.add.f32 [tilespmem:s16], [sflag:$0x3], $0x80, s31, s14, $0xb8;
	[tilespmem:$0x1EB00] =	vst v63  }
0x4e: {  	_ =	swait.ge [sflag:s12], $0x3000  }
0x4f: {  	[sflag:s12] =	ssyncset.done $0x0  }
0x50: {  	[sflag:s12] =	ssyncadd.s32 $0xFFFFD000  }
0x51: {  	_ =	swait.ge [sflag:s17], $0x3000  }
0x52: {  	[sflag:s17] =	ssyncset.done $0x0  }
0x53: {  	[sflag:s17] =	ssyncadd.s32 $0xFFFFD000  }
0x54: {  	[spmem:s3] =	stream.indirect.scatter.add.f32 [tilespmem:s15], [sflag:$0x3], $0x80, s19, s14, $0xb8;
	[tilespmem:$0x1EB00] =	vst v63  }
0x55: {  	_ =	swait.ge [sflag:s12], $0x3000  }
0x56: {  	s20 =	sadd.s32 $0x1, s20;
	[sflag:s12] =	ssyncset.done $0x0  }
0x57: {  	p0 =	sne.s32 s20, s10;
	[sflag:s12] =	ssyncadd.s32 $0xFFFFD000  }
.Ltmp1:
0x58: {  	[bflag:$0x0] =	sbarrier.arrive $0xFFFF;
	(pc) =	sbr.rel @p0 .LBB2_1-.Ltmp1, $4  }
0x59: {  	[hbm:s9], [sflag:s6] =	dma.local [spmem:s11], $0x2780  }
0x5a: {  	_ =	swait.ge [sflag:s12], $0x2780  }
0x5b: {  	[sflag:s12] =	ssyncset.done $0x0  }
0x5c: {  	[sflag:s12] =	ssyncadd.s32 $0xFFFFD880  }
0x5d: {  	_ =	sfence.sel $0x180000  }
0x5e: {  	[bflag:$0x0] =	sbarrier.arrive $0xFFFF  }
0x5f: {  	p0 =	sne.s32 s0, $0x0;
	_ =	strace $0x9000004D  }
0x60: {  	s0 =	sadd.s32 @!p0 $0x100000, s2;
	[bflag:$0x2] =	sbarrier.arrive $0xFFFF  }
0x61: {  	[sflag:s0] =	ssyncadd.tile.s32 @!p0 $0x1;
	_ =	shalt  }
.Lfunc_end2:
_tile_overlayer_lowered:
.L_overlay_start_2:
0x62: {  	(tag) =	ssettag $0x2  }
0x63: {  	s0 =	rddreg [dreg:$0x0];
	s2 =	stileid.u32  }
0x64: {  	s1 =	rddreg [dreg:$0x1];
	p0 =	sne.s32 s2, $0x0  }
0x65: {  	s3 =	rddreg [dreg:$0x2];
	[bflag:$0x3] =	sbarrier.arrive $0xFFFF;
	s2 =	simm.s32 @!p0 $0x1C03  }
0x66: {  	[timem:s3], [sflag:s2] =	dma.local @!p0 [hbm:s0], s1  }
0x67: {  	s0 =	simm.s32 @!p0 $0x3  }
0x68: {  	_ =	swait.ge @!p0 [sflag:s0], s1  }
0x69: {  	s1 =	ssub.s32 @!p0 $0x0, s1;
	[sflag:s0] =	ssyncset.done @!p0 $0x0  }
0x6a: {  	[sflag:s0] =	ssyncadd.s32 @!p0 s1  }
0x6b: {  	[bflag:$0x3] =	sbarrier.arrive $0xFFFF  }
0x6c: {  	_ =	shalt  }

// kernel: kernel.7.cloned.1.call-start
scs
__scs_entry_jumppad:
0x0: {  	(pc) =	sbr.rel $0x88, $3  }
0x1: {  	(tag) =	ssettag $0x0;
	lr =	simm.s32 $0x1  }
0x2: {  	[smem:$0x3F99] =	sst lr;
	_ =	strace $0xD0000000  }
0x3: {  	_ = 	snop  }
0x4: {  	_ = 	snop  }
0x5: {  	_ = 	snop  }
0x6: {  	_ = 	snop  }
0x7: {  	_ = 	snop  }
__scs_overlays_trampoline_lowered:
0x8: {  	[smem:$0x3FA8] =	sst s0  }
0x9: {  	[smem:$0x3FA9] =	sst s1  }
0xa: {  	[smem:$0x3FAA] =	sst s2  }
0xb: {  	[smem:$0x3FAB] =	sst s3  }
0xc: {  	[smem:$0x3FAC] =	sst s4  }
0xd: {  	[smem:$0x3FAD] =	sst s5  }
0xe: {  	[smem:$0x3FAE] =	sst s6  }
0xf: {  	[smem:$0x3FAF] =	sst s7  }
0x10: {  	[smem:$0x3FB0] =	sst s8  }
0x11: {  	[smem:$0x3FB1] =	sst s9;
	s0 =	simm.s32 @!p0 $0x0  }
0x12: {  	s1 =	sld [smem:$0x3F97];
	s0 =	simm.s32 @p0 $0x1  }
0x13: {  	[smem:$0x3FB2] =	sst s0;
	s0 =	simm.s32 @!p1 $0x0  }
0x14: {  	s2 =	sld [smem:$0x3F96];
	s0 =	simm.s32 @p1 $0x1  }
0x15: {  	[smem:$0x3FB3] =	sst s0;
	s0 =	simm.s32 @!p2 $0x0  }
0x16: {  	s3 =	sld [smem:$0x3FDB];
	s0 =	simm.s32 @p2 $0x1  }
0x17: {  	s4 =	simm.s32 $0x1BF5;
	[smem:$0x3FB5] =	sst s0  }
0x18: {  	s0 =	sld [smem:$0x3F98];
	_ =	swait.ge [sflag:s4], $0x0  }
0x19: {  	s7 =	sld [smem:$0x3F99]  }
0x1a: {  	s8 =	sadd.s32 $0xFFFFE003, lr  }
0x1b: {  	s9 =	sadd.s32 $0xFFFFFEF7, lr;
	s5 =	simm.s32 $0xFFFFFFFF;
	p2 =	slt.u32 s8, $0xFFFFF086  }
0x1c: {  	p1 =	slt.u32 s9, $0xF7A;
	s5 =	simm.s32 @!p2 $0x0  }
0x1d: {  	s5 =	simm.s32 @p1 $0x1;
	p0 =	seq.s32 s7, s2  }
0x1e: {  	s7 =	smul.u32 @!p0 $0xF7A, s2;
	p2 =	seq.s32 @!p0 s5, $0x0  }
0x1f: {  	s9 =	smul.u32 $0xF7A, s1;
	s8 =	simm.s32 @!p0 $0x1BF5;
	p2 =	por !p2, p0  }
0x20: {  	[sflag:s8] =	ssyncset.s32 @!p0 $0xFFFFF086;
	s6 =	sadd.s32 @!p0 s3, s7;
	s7 =	simm.s32 @!p0 $0x108  }
0x21: {  	s3 =	sadd.s32 s3, s9;
	s6 =	sadd.s32 @!p0 $0x88, s6;
	s7 =	simm.s32 @p2 $0x1082  }
0x22: {  	[simem:s7], [sflag:s8] =	dma.local @!p0 [hbm:s6], $0xF7A  }
0x23: {  	s9 =	sor.u32 $0xD0000000, s2;
	s6 =	simm.s32 $0x108;
	_ =	swait.ge @!p0 [sflag:s8], $0x0  }
0x24: {  	s3 =	sadd.s32 $0x88, s3;
	s6 =	simm.s32 @!p1 $0x1082;
	[sflag:s4] =	ssyncset.s32 $0xFFFFF086  }
0x25: {  	[simem:s6], [sflag:s4] =	dma.local [hbm:s3], $0xF7A  }
0x26: {  	[smem:$0x3F99] =	sst s1;
	(tag) =	ssettag s2;
	_ =	strace s9  }
0x27: {  	s1 =	sld [smem:$0x3FA9]  }
0x28: {  	s2 =	sld [smem:$0x3FAA]  }
0x29: {  	s4 =	sld [smem:$0x3FAC]  }
0x2a: {  	p0 =	seq.s32 s5, $0x0;
	s5 =	sld [smem:$0x3FAD]  }
0x2b: {  	s6 =	sld [smem:$0x3FAE]  }
0x2c: {  	s7 =	sld [smem:$0x3FAF]  }
0x2d: {  	s3 =	simm.s32 $0x108;
	s8 =	sld [smem:$0x3FB0]  }
0x2e: {  	s3 =	simm.s32 @!p0 $0x1082;
	s9 =	sld [smem:$0x3FB1]  }
0x2f: {  	lr =	sadd.s32 s0, s3;
	s0 =	sld [smem:$0x3FA8]  }
0x30: {  	s3 =	sld [smem:$0x3FAB]  }
0x31: {  	[smem:$0x3FB4] =	sst s10  }
0x32: {  	s10 =	sld [smem:$0x3FB2];
	_ =	sdelay $0x3  }
0x33: {  	p0 =	seq.s32 s10, $0x1;
	s10 =	sld [smem:$0x3FB4];
	_ =	sdelay $0x3  }
0x34: {  	[smem:$0x3FB4] =	sst s10  }
0x35: {  	s10 =	sld [smem:$0x3FB3];
	_ =	sdelay $0x3  }
0x36: {  	p1 =	seq.s32 s10, $0x1;
	s10 =	sld [smem:$0x3FB4];
	_ =	sdelay $0x3  }
0x37: {  	[smem:$0x3FB4] =	sst s10  }
0x38: {  	s10 =	sld [smem:$0x3FB5]  }
0x39: {  	_ = 	snop;
	(pc) =	sbr.ind lr, $3  }
0x3a: {  	_ = 	snop  }
0x3b: {  	_ = 	snop  }
0x3c: {  	p2 =	seq.s32 s10, $0x1;
	s10 =	sld [smem:$0x3FB4]  }
0x3d: {  	_ =	shalt  }
0x3e: {  	_ =	shalt  }
0x3f: {  	_ =	shalt  }
0x40: {  	_ =	shalt  }
0x41: {  	_ =	shalt  }
0x42: {  	_ =	shalt  }
0x43: {  	_ =	shalt  }
0x44: {  	_ =	shalt  }
0x45: {  	_ =	shalt  }
0x46: {  	_ =	shalt  }
0x47: {  	_ =	shalt  }
0x48: {  	_ =	shalt  }
0x49: {  	_ =	shalt  }
0x4a: {  	_ =	shalt  }
0x4b: {  	_ =	shalt  }
0x4c: {  	_ =	shalt  }
0x4d: {  	_ =	shalt  }
0x4e: {  	_ =	shalt  }
0x4f: {  	_ =	shalt  }
0x50: {  	_ =	shalt  }
0x51: {  	_ =	shalt  }
0x52: {  	_ =	shalt  }
0x53: {  	_ =	shalt  }
0x54: {  	_ =	shalt  }
0x55: {  	_ =	shalt  }
0x56: {  	_ =	shalt  }
0x57: {  	_ =	shalt  }
0x58: {  	_ =	shalt  }
0x59: {  	_ =	shalt  }
0x5a: {  	_ =	shalt  }
0x5b: {  	_ =	shalt  }
0x5c: {  	_ =	shalt  }
0x5d: {  	_ =	shalt  }
0x5e: {  	_ =	shalt  }
0x5f: {  	_ =	shalt  }
0x60: {  	_ =	shalt  }
0x61: {  	_ =	shalt  }
0x62: {  	_ =	shalt  }
0x63: {  	_ =	shalt  }
0x64: {  	_ =	shalt  }
0x65: {  	_ =	shalt  }
0x66: {  	_ =	shalt  }
0x67: {  	_ =	shalt  }
0x68: {  	_ =	shalt  }
0x69: {  	_ =	shalt  }
0x6a: {  	_ =	shalt  }
0x6b: {  	_ =	shalt  }
0x6c: {  	_ =	shalt  }
0x6d: {  	_ =	shalt  }
0x6e: {  	_ =	shalt  }
0x6f: {  	_ =	shalt  }
0x70: {  	_ =	shalt  }
0x71: {  	_ =	shalt  }
0x72: {  	_ =	shalt  }
0x73: {  	_ =	shalt  }
0x74: {  	_ =	shalt  }
0x75: {  	_ =	shalt  }
0x76: {  	_ =	shalt  }
0x77: {  	_ =	shalt  }
0x78: {  	_ =	shalt  }
0x79: {  	_ =	shalt  }
0x7a: {  	_ =	shalt  }
0x7b: {  	_ =	shalt  }
0x7c: {  	_ =	shalt  }
0x7d: {  	_ =	shalt  }
0x7e: {  	_ =	shalt  }
0x7f: {  	_ =	shalt  }
0x80: {  	_ =	shalt  }
0x81: {  	_ =	shalt  }
0x82: {  	_ =	shalt  }
0x83: {  	_ =	shalt  }
0x84: {  	_ =	shalt  }
0x85: {  	_ =	shalt  }
0x86: {  	_ =	shalt  }
0x87: {  	_ =	shalt  }
.Lfunc_end0:
.L_simem_size_0:
called_computation_lowered:
.L_overlay_start_0:
0x88: {  	s2 =	sld [smem:$0x3FD9]  }
0x89: {  	s3 =	sld [smem:$0x3FFE];
	_ =	sdelay $0x1  }
0x8a: {  	s1 =	srdreg.scid  }
0x8b: {  	s0 =	sand.u32 $0x1, s1  }
0x8c: {  	s17 =	sshll.u32 s0, $0xA;
	s2 =	sadd.s32 s3, s2  }
0x8d: {  	s2 =	sadd.s32 s2, s17  }
0x8e: {  	[smem:$0x3FC0] =	sst s2  }
0x8f: {  	_ = 	snop  }
0x90: {  	s18 =	sld [smem:$0x3FC9];
	(tm) =	ssettm $0x1  }
0x91: {  	s19 =	sld [smem:$0x3FFB];
	_ =	sdelay $0x3  }
0x92: {  	_ =	strace s19  }
0x93: {  	s2 =	sld [smem:$0x3FFC];
	_ =	sdelay $0x3  }
0x94: {  	_ =	strace s2  }
0x95: {  	s2 =	sld [smem:$0x3FFD];
	_ =	sdelay $0x3  }
0x96: {  	_ =	strace s2  }
0x97: {  	_ =	strace $0x8FFFFFFF  }
0x98: {  	s20 =	sld [smem:$0x3FDB];
	_ =	sdelay $0x1  }
0x99: {  	s4 =	simm.s32 $_scs_section_size  }
0x9a: {  	s5 =	simm.s32 $_size__tile_overlayer_lowered;
	s6 =	simm.s32 $_tile_overlayer_lowered  }
0x9b: {  	s7 =	simm.s32 $0x1BFF;
	s21 =	sshll.u32 s6, $0x1;
	s4 =	sadd.s32 s4, s20  }
0x9c: {  	s22 =	simm.s32 $0x0;
	s5 =	sshll.u32 s5, $0x1;
	s6 =	sadd.s32 s21, s4  }
0x9d: {  	[timem:s22], [sflag:s7] =	dma.local [hbm:s6], s5  }
0x9e: {  	_ =	swait.ge [sflag:s7], s5  }
0x9f: {  	s5 =	ssub.s32 $0x0, s5;
	[sflag:s7] =	ssyncset.done $0x0  }
0xa0: {  	[sflag:s7] =	ssyncadd.s32 s5;
	_ =	sdelay $0x1  }
0xa1: {  	s23 =	simm.s32 $0x1B8B  }
0xa2: {  	_ =	swait.ge [sflag:s23], $0x1  }
0xa3: {  	[sflag:s23] =	ssyncset.done $0x0  }
0xa4: {  	[sflag:s23] =	ssyncadd.s32 $0xFFFFFFFF  }
0xa5: {  	s5 =	sld [smem:$0x0]  }
0xa6: {  	s6 =	sand.u32 $0xFFFFFFFE, s1  }
0xa7: {  	p0 =	sne.s32 s1, s6  }
0xa8: {  	s6 =	sshll.u32 @p0 s6, $0xE  }
0xa9: {  	s6 =	sadd.s32 @p0 $0x11B8D, s6;
	s7 =	sshll.u32 @p0 s5, $0x11  }
0xaa: {  	s6 =	sor.u32 @p0 s7, s6  }
0xab: {  	[sflag:s6] =	ssyncadd.remote.s32 @p0 $0x1;
	_ =	sdelay $0x1  }
0xac: {  	s6 =	simm.s32 @p0 $0x1B8D  }
0xad: {  	_ =	swait.eq @p0 [sflag:s6], $0x1  }
0xae: {  	[sflag:s6] =	ssyncadd.s32 @p0 $0xFFFFFFFF  }
0xaf: {  	s7 =	sshll.u32 @!p0 s1, $0xE  }
0xb0: {  	s7 =	sor.u32 @!p0 $0x4000, s7;
	s6 =	simm.s32 @!p0 $0x1B8D  }
0xb1: {  	s5 =	sshll.u32 @!p0 s5, $0x11;
	s7 =	sadd.s32 @!p0 $0x11B8D, s7;
	_ =	swait.eq @!p0 [sflag:s6], $0x1  }
0xb2: {  	s5 =	sor.u32 @!p0 s5, s7;
	[sflag:s6] =	ssyncadd.s32 @!p0 $0xFFFFFFFF  }
0xb3: {  	s25 =	simm.s32 $0x1B8E;
	s24 =	sld [smem:$0x3FFE];
	[sflag:s5] =	ssyncadd.remote.s32 @!p0 $0x1  }
0xb4: {  	s26 =	simm.s32 $execute0_lowered;
	[smem:$0x3FD2] =	sst s25  }
0xb5: {  	s6 =	sshll.u32 s26, $0x1;
	_ =	strace $0x80000049;
	[dreg:$0x1] =	wrdreg $0xFFFFFFFF  }
0xb6: {  	s28 =	simm.s32 $_size_execute0_lowered;
	s4 =	sadd.s32 s4, s6;
	[dreg:$0x0] =	wrdreg $0x0  }
0xb7: {  	s6 =	sshll.u32 s28, $0x1;
	[dreg:$0x2] =	wrdreg s4  }
0xb8: {  	[dreg:$0x3] =	wrdreg s6  }
0xb9: {  	[dreg:$0x4] =	wrdreg $0xC0  }
0xba: {  	_ =	task [dreg:s22], $0x5FFFF  }
0xbb: {  	[dreg:$0x1] =	wrdreg $0xFFFFFFFF  }
0xbc: {  	[dreg:$0x0] =	wrdreg $0x60  }
0xbd: {  	[dreg:$0x2] =	wrdreg s18  }
0xbe: {  	[dreg:$0x3] =	wrdreg s24  }
0xbf: {  	[dreg:$0x4] =	wrdreg $0xAF000  }
0xc0: {  	[dreg:$0x5] =	wrdreg $0x9  }
0xc1: {  	_ =	task.clear_ibuf [dreg:s22], $0x6FFFF;
	_ =	strace $0x90000049  }
0xc2: {  	s29 =	simm.s32 $0x9;
	_ =	strace $0x8000004B  }
0xc3: {  	_ =	swait.ge [sflag:s29], $0x1  }
0xc4: {  	[sflag:s29] =	ssyncadd.s32 $0xFFFFFFFF  }
0xc5: {  	_ =	strace $0x9000004B  }
0xc6: {  	_ =	sfence  }
0xc7: {  	s30 =	sld [smem:$0x0];
	_ =	sdelay $0x2  }
0xc8: {  	s31 =	sshll.u32 s1, $0xD;
	s1 =	sshrl.u32 s1, $0x2  }
0xc9: {  	s4 =	sand.u32 $0x4000, s31;
	s1 =	sadd.s32 s1, s30  }
0xca: {  	s0 =	sor.u32 s4, s0;
	s1 =	sshll.u32 s1, $0x11  }
0xcb: {  	s0 =	sor.u32 s1, s0  }
0xcc: {  	s0 =	sadd.s32 $0x8F2B, s0  }
0xcd: {  	[sflag:s0] =	ssyncadd.remote.s32 $0x1  }
0xce: {  	_ =	sfence.sel $0xFFFF  }
0xcf: {  	[dreg:$0x0] =	wrdreg $0xFFFFFFFF;
	(pc) =	sbr.abs _section_cstart, $3  }
0xd0: {  	[dreg:$0x1] =	wrdreg $0xFFFFFFFF  }
0xd1: {  	_ =	task.clear_ibuf [dreg:s22], $0x2FFFF;
	_ =	strace $0x9FFFFFFF  }
0xd2: {  	(tm) =	ssettm $0x7FFFFFFF  }
0xd3: {  	_ =	shalt  }
tec
execute0_lowered:
.L_overlay_start_1:
0x0: {  	(tag) =	ssettag $0x1  }
0x1: {  	s1 =	rddreg [dreg:$0x0]  }
0x2: {  	s6 =	rddreg [dreg:$0x1]  }
0x3: {  	s0 =	srdreg.scid;
	s3 =	rddreg [dreg:$0x2];
	s4 =	simm.s32 $0x0  }
0x4: {  	s14 =	simm.s32 $0x60;
	s15 =	simm.s32 $0x4F00;
	s16 =	simm.s32 $0x7F00  }
0x5: {  	s17 =	simm.s32 $0x1;
	s5 =	sand.u32 $0x1, s0;
	s0 =	stileid.u32  }
0x6: {  	s18 =	simm.s32 $0x2;
	s19 =	simm.s32 $0x4E80;
	s8 =	smul.u32 $0x13C00, s0  }
0x7: {  	s20 =	simm.s32 $0x0;
	[smem:$0x7FF] =	sst s4;
	s9 =	smul.u32 $0x13C000, s5  }
0x8: {  	s2 =	sshll.u32 s5, $0x4;
	s5 =	ssub.s32 $0x2, s5;
	s29 =	smul.u32 $0x4F000, s0  }
0x9: {  	s31 =	sshll.u32 s0, $0x6;
	s2 =	sor.u32 s0, s2;
	s11 =	sshrl.u32 s5, $0x1  }
0xa: {  	s7 =	smul.u32 $0x4EC, s2;
	s2 =	rddreg [dreg:$0x3];
	_ =	strace $0x8000004A  }
0xb: {  	s28 =	sshrl.u32 s8, $0x3;
	s8 =	sadd.s32 s8, s9;
	s30 =	sshrl.u32 s29, $0x2  }
0xc: {  	s11 =	ssub.s32 s5, s11;
	s8 =	sshrl.u32 s8, $0x3;
	s13 =	sadd.s32 s30, s3  }
0xd: {  	s10 =	sadd.s32 s7, s6;
	s7 =	sadd.s32 s28, s6;
	s12 =	sadd.s32 s8, s6  }
0xe: {  	s6 =	sor.u32 $0x1C03, s31;
	s5 =	sadd.s32 $0x15C00, s7;
	s7 =	sadd.s32 $0x2000, s10  }
0xf: {  	s8 =	sadd.s32 $0xBE00, s10;
	s9 =	sadd.s32 $0x8C400, s12;
	s10 =	smax.u32 s11, $0x1  }
0x10: {  	s11 =	sshrl.u32 s13, $0x3;
	s12 =	simm.s32 $0x3;
	s13 =	simm.s32 $0x2780  }
.LBB2_1:
0x11: {  	[spmem:s11], [sflag:s6] =	dma.local [hbm:s5], $0x2780  }
0x12: {  	_ =	swait.ge [sflag:s12], $0x2780  }
0x13: {  	[sflag:s12] =	ssyncset.done $0x0  }
0x14: {  	[sflag:s12] =	ssyncadd.s32 $0xFFFFD880  }
0x15: {  	[tilespmem:s4], [sflag:$0x3] =	stream.linear.gather [hbm4b:s7+s4], $0x2760, $0x38;
	[tilespmem:$0x1EB00] =	vst v63  }
0x16: {  	_ =	swait.ge [sflag:s12], $0x2760  }
0x17: {  	[sflag:s12] =	ssyncset.done $0x0  }
0x18: {  	[sflag:s12] =	ssyncadd.s32 $0xFFFFD8A0  }
0x19: {  	[tilespmem:s13], [sflag:$0x3] =	stream.linear.gather [hbm4b:s8+s4], $0x2760, $0x38;
	[tilespmem:$0x1EB00] =	vst v63  }
0x1a: {  	_ =	swait.ge [sflag:s12], $0x2760  }
0x1b: {  	[sflag:s12] =	ssyncset.done $0x0  }
0x1c: {  	[sflag:s12] =	ssyncadd.s32 $0xFFFFD8A0  }
0x1d: {  	[bflag:$0x0] =	sbarrier.arrive $0xFFFF  }
0x1e: {  	[tilespmem:s15], [sflag:$0x1] =	stream.indirect.gather [hbm4b:s1+s14], $0x80, s4, s14, $0xb8;
	[tilespmem:$0x1EB00] =	vst v63  }
0x1f: {  	s21 =	simm.s32 $0x60  }
0x20: {  	[tilespmem:s16], [sflag:$0x2] =	stream.indirect.gather [hbm4b:s1+s14], $0x80, s21, s14, $0xb8;
	[tilespmem:$0x1EB00] =	vst v63  }
0x21: {  	_ =	swait.ge [sflag:s17], $0x3000  }
0x22: {  	[sflag:s17] =	ssyncset.done $0x0  }
0x23: {  	s29 =	simm.s32 $0x2780;
	[sflag:s17] =	ssyncadd.s32 $0xFFFFD000  }
0x24: {  	[spmem:s3] =	stream.indirect.scatter.add.f32 [tilespmem:s15], [sflag:$0x3], $0x80, s29, s14, $0xb8;
	[tilespmem:$0x1EB00] =	vst v63  }
0x25: {  	_ =	swait.ge [sflag:s12], $0x3000  }
0x26: {  	[sflag:s12] =	ssyncset.done $0x0  }
0x27: {  	s30 =	simm.s32 $0xC0;
	[sflag:s12] =	ssyncadd.s32 $0xFFFFD000  }
0x28: {  	[tilespmem:s15], [sflag:$0x1] =	stream.indirect.gather [hbm4b:s1+s14], $0x80, s30, s14, $0xb8;
	[tilespmem:$0x1EB00] =	vst v63  }
0x29: {  	_ =	swait.ge [sflag:s18], $0x3000  }
0x2a: {  	[sflag:s18] =	ssyncset.done $0x0  }
0x2b: {  	s31 =	simm.s32 $0x27E0;
	[sflag:s18] =	ssyncadd.s32 $0xFFFFD000  }
0x2c: {  	[spmem:s3] =	stream.indirect.scatter.add.f32 [tilespmem:s16], [sflag:$0x3], $0x80, s31, s14, $0xb8;
	[tilespmem:$0x1EB00] =	vst v63  }
0x2d: {  	_ =	swait.ge [sflag:s12], $0x3000  }
0x2e: {  	s22 =	simm.s32 $0x600;
	s21 =	simm.s32 $0xC0;
	[sflag:s12] =	ssyncset.done $0x0  }
.LBB2_2:
0x2f: {  	s23 =	sadd.s32 $0x60, s21  }
0x30: {  	[sflag:s12] =	ssyncadd.s32 $0xFFFFD000;
	s24 =	smov.u32 s22;
	s25 =	sadd.s32 $0x300, s22  }
0x31: {  	[tilespmem:s16], [sflag:$0x2] =	stream.indirect.gather [hbm4b:s1+s14], $0x80, s23, s14, $0xb8;
	[tilespmem:$0x1EB00] =	vst v63  }
0x32: {  	p0 =	sne.s32 s22, $0x9900;
	_ =	swait.ge [sflag:s17], $0x3000  }
0x33: {  	[sflag:s17] =	ssyncset.done $0x0  }
0x34: {  	s22 =	sadd.s32 $0x2780, s21;
	[sflag:s17] =	ssyncadd.s32 $0xFFFFD000  }
0x35: {  	[spmem:s3] =	stream.indirect.scatter.add.f32 [tilespmem:s15], [sflag:$0x3], $0x80, s22, s14, $0xb8;
	[tilespmem:$0x1EB00] =	vst v63  }
0x36: {  	_ =	swait.ge [sflag:s12], $0x3000  }
0x37: {  	[sflag:s12] =	ssyncset.done $0x0  }
0x38: {  	s22 =	sadd.s32 $0xC0, s21;
	[sflag:s12] =	ssyncadd.s32 $0xFFFFD000  }
0x39: {  	[tilespmem:s15], [sflag:$0x1] =	stream.indirect.gather [hbm4b:s1+s14], $0x80, s22, s14, $0xb8;
	[tilespmem:$0x1EB00] =	vst v63  }
0x3a: {  	_ =	swait.ge [sflag:s18], $0x3000  }
.Ltmp0:
0x3b: {  	[sflag:s18] =	ssyncset.done $0x0;
	(pc) =	sbr.rel @p0 .LBB2_2-.Ltmp0, $4  }
0x3c: {  	s21 =	sadd.s32 $0x27E0, s21;
	[sflag:s18] =	ssyncadd.s32 $0xFFFFD000  }
0x3d: {  	[spmem:s3] =	stream.indirect.scatter.add.f32 [tilespmem:s16], [sflag:$0x3], $0x80, s21, s14, $0xb8;
	[tilespmem:$0x1EB00] =	vst v63  }
0x3e: {  	_ =	swait.ge [sflag:s12], $0x3000  }
0x3f: {  	s22 =	smov.u32 s25;
	s21 =	sshra.s32 s24, $0x2;
	[sflag:s12] =	ssyncset.done $0x0  }
0x40: {  	s22 =	sadd.s32 $0x60, s21;
	[sflag:s12] =	ssyncadd.s32 $0xFFFFD000  }
0x41: {  	[tilespmem:s16], [sflag:$0x2] =	stream.indirect.gather [hbm4b:s1+s14], $0x80, s22, s14, $0xb8;
	[tilespmem:$0x1EB00] =	vst v63  }
0x42: {  	_ =	swait.ge [sflag:s17], $0x3000  }
0x43: {  	[sflag:s17] =	ssyncset.done $0x0  }
0x44: {  	s29 =	sadd.s32 $0x2780, s21;
	[sflag:s17] =	ssyncadd.s32 $0xFFFFD000  }
0x45: {  	[spmem:s3] =	stream.indirect.scatter.add.f32 [tilespmem:s15], [sflag:$0x3], $0x80, s29, s14, $0xb8;
	[tilespmem:$0x1EB00] =	vst v63  }
0x46: {  	_ =	swait.ge [sflag:s12], $0x3000  }
0x47: {  	[sflag:s12] =	ssyncset.done $0x0  }
0x48: {  	s30 =	sadd.s32 $0xC0, s21;
	[sflag:s12] =	ssyncadd.s32 $0xFFFFD000  }
0x49: {  	[tilespmem:s15], [sflag:$0x1] =	stream.indirect.gather [hbm4b:s1+s14], $0x80, s30, s14, $0xb8;
	[tilespmem:$0x1EB00] =	vst v63  }
0x4a: {  	_ =	swait.ge [sflag:s18], $0x3000  }
0x4b: {  	[sflag:s18] =	ssyncset.done $0x0  }
0x4c: {  	s31 =	sadd.s32 $0x27E0, s21;
	[sflag:s18] =	ssyncadd.s32 $0xFFFFD000  }
0x4d: {  	[spmem:s3] =	stream.indirect.scatter.add.f32 [tilespmem:s16], [sflag:$0x3], $0x80, s31, s14, $0xb8;
	[tilespmem:$0x1EB00] =	vst v63  }
0x4e: {  	_ =	swait.ge [sflag:s12], $0x3000  }
0x4f: {  	[sflag:s12] =	ssyncset.done $0x0  }
0x50: {  	[sflag:s12] =	ssyncadd.s32 $0xFFFFD000  }
0x51: {  	_ =	swait.ge [sflag:s17], $0x3000  }
0x52: {  	[sflag:s17] =	ssyncset.done $0x0  }
0x53: {  	[sflag:s17] =	ssyncadd.s32 $0xFFFFD000  }
0x54: {  	[spmem:s3] =	stream.indirect.scatter.add.f32 [tilespmem:s15], [sflag:$0x3], $0x80, s19, s14, $0xb8;
	[tilespmem:$0x1EB00] =	vst v63  }
0x55: {  	_ =	swait.ge [sflag:s12], $0x3000  }
0x56: {  	s20 =	sadd.s32 $0x1, s20;
	[sflag:s12] =	ssyncset.done $0x0  }
0x57: {  	p0 =	sne.s32 s20, s10;
	[sflag:s12] =	ssyncadd.s32 $0xFFFFD000  }
.Ltmp1:
0x58: {  	[bflag:$0x0] =	sbarrier.arrive $0xFFFF;
	(pc) =	sbr.rel @p0 .LBB2_1-.Ltmp1, $4  }
0x59: {  	[hbm:s9], [sflag:s6] =	dma.local [spmem:s11], $0x2780  }
0x5a: {  	_ =	swait.ge [sflag:s12], $0x2780  }
0x5b: {  	[sflag:s12] =	ssyncset.done $0x0  }
0x5c: {  	[sflag:s12] =	ssyncadd.s32 $0xFFFFD880  }
0x5d: {  	_ =	sfence.sel $0x180000  }
0x5e: {  	[bflag:$0x0] =	sbarrier.arrive $0xFFFF  }
0x5f: {  	p0 =	sne.s32 s0, $0x0;
	_ =	strace $0x9000004A  }
0x60: {  	s0 =	sadd.s32 @!p0 $0x100000, s2;
	[bflag:$0x2] =	sbarrier.arrive $0xFFFF  }
0x61: {  	[sflag:s0] =	ssyncadd.tile.s32 @!p0 $0x1;
	_ =	shalt  }
.Lfunc_end2:
_tile_overlayer_lowered:
.L_overlay_start_2:
0x62: {  	(tag) =	ssettag $0x2  }
0x63: {  	s0 =	rddreg [dreg:$0x0];
	s2 =	stileid.u32  }
0x64: {  	s1 =	rddreg [dreg:$0x1];
	p0 =	sne.s32 s2, $0x0  }
0x65: {  	s3 =	rddreg [dreg:$0x2];
	[bflag:$0x3] =	sbarrier.arrive $0xFFFF;
	s2 =	simm.s32 @!p0 $0x1C03  }
0x66: {  	[timem:s3], [sflag:s2] =	dma.local @!p0 [hbm:s0], s1  }
0x67: {  	s0 =	simm.s32 @!p0 $0x3  }
0x68: {  	_ =	swait.ge @!p0 [sflag:s0], s1  }
0x69: {  	s1 =	ssub.s32 @!p0 $0x0, s1;
	[sflag:s0] =	ssyncset.done @!p0 $0x0  }
0x6a: {  	[sflag:s0] =	ssyncadd.s32 @!p0 s1  }
0x6b: {  	[bflag:$0x3] =	sbarrier.arrive $0xFFFF  }
0x6c: {  	_ =	shalt  }

</sc_bundles>
